<compile_context>
chip_gen: v7x
topology: tpu7x:2x2x1
jax: 0.10.2.dev20260603
libtpu: 0.0.44.dev20260713+nightly
codegen_flags: <defaults>
</compile_context>

<pallas_src>
import functools

import jax
from jax import lax
import jax.numpy as jnp
from jax.experimental import pallas as pl
from jax.experimental.pallas import tpu as pltpu
from jax.experimental.pallas import tpu_sc as plsc

_CHUNK = 16


def _sc_body(off_hbm, w_hbm, out_hbm, off_v, idxs, bufs, isems, osems, *, nc,
             lanes, rows_per_w, chunk, bsz):
    wid = lax.axis_index("s") * nc + lax.axis_index("c")
    base = wid * rows_per_w
    nchunk = rows_per_w // chunk

    pltpu.sync_copy(off_hbm, off_v)
    off_vec = off_v[...]
    row_iota = lax.broadcasted_iota(jnp.int32, (lanes,), 0)

    def in_copy(ch, s):
        return pltpu.make_async_copy(
            w_hbm.at[idxs.at[s]],
            bufs.at[s],
            isems.at[s],
        )

    def prep_in(ch, s):
        idxs.at[s][...] = off_vec + (base + ch * chunk) + row_iota
        in_copy(ch, s).start()

    def out_copy(ch, s, b):
        return pltpu.make_async_copy(
            bufs.at[s],
            out_hbm.at[pl.ds(base + ch * chunk, chunk), b, :],
            osems.at[s],
        )

    prep_in(0, 0)

    @pl.loop(0, nchunk, step=2)
    def _(g):
        for sb in range(2):
            ch = g + sb
            s, o = sb, 1 - sb
            in_copy(ch, s).wait()
            for b in range(bsz):
                out_copy(ch, s, b).start()
            @pl.when(ch >= 1)
            def _():
                for b in range(bsz):
                    out_copy(ch - 1, o, b).wait()

            @pl.when(ch + 1 < nchunk)
            def _():
                prep_in(ch + 1, o)

    last = nchunk - 1
    for b in range(bsz):
        out_copy(last, jax.lax.rem(last, 2), b).wait()


def kernel(input, weights, offset=0):
    seq_len, bsz = input.shape
    emb = weights.shape[-1]
    info = plsc.get_sparse_core_info()
    nc, ns, lanes = info.num_cores, info.num_subcores, info.num_lanes
    nw = nc * ns
    rows_per_w = seq_len // nw
    chunk = min(_CHUNK, rows_per_w, lanes)
    off = jnp.full((lanes,), offset, jnp.int32)

    mesh = plsc.VectorSubcoreMesh(core_axis_name="c", subcore_axis_name="s")
    body = functools.partial(_sc_body, nc=nc, lanes=lanes,
                             rows_per_w=rows_per_w, chunk=chunk, bsz=bsz)
    sc_kernel = pl.kernel(
        body,
        out_type=jax.ShapeDtypeStruct((seq_len, bsz, emb), weights.dtype),
        mesh=mesh,
        scratch_types=[
            pltpu.VMEM((lanes,), jnp.int32),
            pltpu.VMEM((2, chunk), jnp.int32),
            pltpu.VMEM((2, chunk, emb), weights.dtype),
            pltpu.SemaphoreType.DMA((2,)),
            pltpu.SemaphoreType.DMA((2,)),
        ],
    )
    return sc_kernel(off, weights)

# --- scband reference (transcript-rebuilt; emitter-appended) ---
"""Pipeline reference for scband-learned-positional-embedding-3539053052716 (READ-ONLY COPY).

The authoritative reference and input builder live on the scoring server;
editing this copy changes nothing except your own understanding.
"""

import jax, jax.numpy as jnp
import numpy as np

def setup_inputs(seed: int = 0) -> dict:
    key = jax.random.key(seed)
    k1, k2 = jax.random.split(key)
    inp = jax.random.normal(k1, (4096, 4), dtype=jnp.float32)
    weights = jax.random.normal(k2, (8192, 2048), dtype=jnp.float32) * 0.02
    return {"input": inp, "weights": weights, "offset": 0}

def reference(input, weights, offset=0):
    # Input is expected to be of size [seq_len x bsz]; only its shape is used.
    seq_len, bsz = input.shape
    positions = offset + jnp.arange(seq_len)
    emb = jnp.take(weights, positions, axis=0)  # [seq_len, embedding_dim]
    # unsqueeze(1).expand(-1, bsz, -1)
    res = jnp.broadcast_to(emb[:, None, :], (seq_len, bsz, weights.shape[-1]))
    return res

if __name__ == "__main__":
    import jax
    _d = setup_inputs()
    print(jax.jit(kernel)(*tuple(_d.values())))

</pallas_src>

<mosaic_0001>
#map = affine_map<(d0, d1) -> (0)>
#map1 = affine_map<(d0, d1) -> (0, 0)>
#map2 = affine_map<(d0, d1) -> (0, 0, 0)>
module attributes {stable_mosaic.version = 14 : i64} {
  func.func @_sc_body(%arg0: i32, %arg1: i32, %arg2: memref<16xi32, #tpu.memory_space<hbm>>, %arg3: memref<8192x2048xf32, #tpu.memory_space<hbm>>, %arg4: memref<4096x4x2048xf32, #tpu.memory_space<hbm>>, %arg5: memref<16xi32, #tpu.memory_space<vmem>>, %arg6: memref<2x16xi32, #tpu.memory_space<vmem>>, %arg7: memref<2x16x2048xf32, #tpu.memory_space<vmem>>, %arg8: memref<2x!tpu.dma_semaphore, #tpu.memory_space<semaphore_mem>>, %arg9: memref<2x!tpu.dma_semaphore, #tpu.memory_space<semaphore_mem>>) attributes {dimension_semantics = [#tpu.dimension_semantics<core_parallel>, #tpu.dimension_semantics<subcore_parallel>], iteration_bounds = array<i64: 2, 16>, scalar_prefetch = 0 : i64, scratch_operands = 5 : i64, tpu.core_type = #tpu.core_type<sc_vector_subcore>, window_params = [{transform_indices = #map}, {transform_indices = #map1}, {transform_indices = #map2}]} {
    %mul3A = arith.constant 2 : i32
    %mul3A_0 = arith.muli %arg1, %mul3A : i32
    %add3A = arith.addi %mul3A_0, %arg0 : i32
    %mul3A_1 = arith.constant 128 : i32
    %mul3A_2 = arith.muli %add3A, %mul3A_1 : i32
    "tpu.region"() ({
      %run_scoped3A = tpu.sem_alloc : memref<!tpu.dma_semaphore, #tpu.memory_space<semaphore_mem>>
      tpu.enqueue_dma source(%arg2 : memref<16xi32, #tpu.memory_space<hbm>>) target(%arg5 : memref<16xi32, #tpu.memory_space<vmem>>) target_semaphore(%run_scoped3A : memref<!tpu.dma_semaphore, #tpu.memory_space<semaphore_mem>>)
      tpu.wait_dma2 semaphore(%run_scoped3A : memref<!tpu.dma_semaphore, #tpu.memory_space<semaphore_mem>>) src(%arg2 : memref<16xi32, #tpu.memory_space<hbm>>) dst(%arg5 : memref<16xi32, #tpu.memory_space<vmem>>)
      tpu.yield
    }) : () -> ()
    %get3A = arith.constant 0 : index
    %get3A_3 = tpu.vector_load %arg5[%get3A] {strides = array<i32>} : memref<16xi32, #tpu.memory_space<vmem>>, vector<16xi32>,
    %get3A_4 = vector.shape_cast %get3A_3 : vector<16xi32> to vector<16xi32>
    %iota3A = tpu.iota {dimensions = array<i32: 0>} : vector<16xi32>
    %add3A_5 = arith.constant 0 : i32
    %add3A_6 = arith.addi %mul3A_2, %add3A_5 : i32
    %add3A_7 = vector.broadcast %add3A_6 : i32 to vector<16xi32>
    %add3A_8 = arith.addi %get3A_4, %add3A_7 : vector<16xi32>
    %add3A_9 = arith.addi %add3A_8, %iota3A : vector<16xi32>
    %swap3A = arith.constant 0 : i32
    %swap3A_10 = arith.index_cast %swap3A : i32 to index
    %swap3A_11 = arith.constant 0 : index
    %swap3A_12 = tpu.vector_load %arg6[%swap3A_10, %swap3A_11] {strides = array<i32>} : memref<2x16xi32, #tpu.memory_space<vmem>>, vector<1x16xi32>,
    %swap3A_13 = vector.shape_cast %swap3A_12 : vector<1x16xi32> to vector<16xi32>
    %swap3A_14 = vector.shape_cast %add3A_9 : vector<16xi32> to vector<1x16xi32>
    tpu.vector_store %arg6[%swap3A_10, %swap3A_11], %swap3A_14 {strides = array<i32>} : memref<2x16xi32, #tpu.memory_space<vmem>>, vector<1x16xi32>,
    %dma_start3A = arith.constant 0 : i32
    %dma_start3A_15 = arith.constant 0 : i32
    %dma_start3A_16 = arith.constant 0 : i32
    %dma_start3A_17 = arith.constant 0 : i32
    %dma_start3A_18 = arith.constant 0 : i32
    %dma_start3A_19 = tpu.memref_slice %arg7[%dma_start3A_15, %dma_start3A_17, %dma_start3A_18] : memref<2x16x2048xf32, #tpu.memory_space<vmem>> -> memref<1x16x2048xf32, #tpu.memory_space<vmem>>
    %dma_start3A_20 = tpu.memref_squeeze %dma_start3A_19 : memref<1x16x2048xf32, #tpu.memory_space<vmem>> -> memref<16x2048xf32, #tpu.memory_space<vmem>>
    %dma_start3A_21 = arith.constant 0 : i32
    %dma_start3A_22 = tpu.memref_slice %arg6[%dma_start3A, %dma_start3A_21] : memref<2x16xi32, #tpu.memory_space<vmem>> -> memref<1x16xi32, #tpu.memory_space<vmem>>
    %dma_start3A_23 = tpu.memref_squeeze %dma_start3A_22 : memref<1x16xi32, #tpu.memory_space<vmem>> -> memref<16xi32, #tpu.memory_space<vmem>>
    %dma_start3A_24 = arith.constant 0 : i32
    %dma_start3A_25 = arith.constant 0 : i32
    %dma_start3A_26 = tpu.memref_slice %arg3[%dma_start3A_24, %dma_start3A_25] : memref<8192x2048xf32, #tpu.memory_space<hbm>> -> memref<8192x2048xf32, #tpu.memory_space<hbm>>
    %dma_start3A_27 = tpu.memref_slice %arg8[%dma_start3A_16] : memref<2x!tpu.dma_semaphore, #tpu.memory_space<semaphore_mem>> -> memref<1x!tpu.dma_semaphore, #tpu.memory_space<semaphore_mem>>
    %dma_start3A_28 = tpu.memref_squeeze %dma_start3A_27 : memref<1x!tpu.dma_semaphore, #tpu.memory_space<semaphore_mem>> -> memref<!tpu.dma_semaphore, #tpu.memory_space<semaphore_mem>>
    tpu.enqueue_indirect_dma source(%dma_start3A_26 : memref<8192x2048xf32, #tpu.memory_space<hbm>>) target(%dma_start3A_20 : memref<16x2048xf32, #tpu.memory_space<vmem>>) offsets(%dma_start3A_23 : memref<16xi32, #tpu.memory_space<vmem>>) semaphore(%dma_start3A_28 : memref<!tpu.dma_semaphore, #tpu.memory_space<semaphore_mem>>)
    %scan3A = arith.constant 0 : i32
    %scan3A_29 = arith.constant 4 : i32
    %scan3A_30 = arith.addi %scan3A, %scan3A_29 : i32
    %scan3A_31 = arith.constant 1 : i32
    scf.for %scan3A_119 = %scan3A to %scan3A_30 step %scan3A_31  : i32 {
      %mul3A_120 = arith.constant 2 : i32
      %mul3A_121 = arith.muli %scan3A_119, %mul3A_120 : i32
      %add3A_122 = arith.constant 0 : i32
      %add3A_123 = arith.addi %add3A_122, %mul3A_121 : i32
      %add3A_124 = arith.constant 0 : i32
      %add3A_125 = arith.addi %add3A_123, %add3A_124 : i32
      %dma_wait3A_126 = arith.constant 0 : i32
      %dma_wait3A_127 = arith.constant 0 : i32
      %dma_wait3A_128 = arith.constant 0 : i32
      %dma_wait3A_129 = arith.constant 0 : i32
      %dma_wait3A_130 = arith.constant 0 : i32
      %dma_wait3A_131 = tpu.memref_slice %arg7[%dma_wait3A_127, %dma_wait3A_129, %dma_wait3A_130] : memref<2x16x2048xf32, #tpu.memory_space<vmem>> -> memref<1x16x2048xf32, #tpu.memory_space<vmem>>
      %dma_wait3A_132 = tpu.memref_squeeze %dma_wait3A_131 : memref<1x16x2048xf32, #tpu.memory_space<vmem>> -> memref<16x2048xf32, #tpu.memory_space<vmem>>
      %dma_wait3A_133 = arith.constant 0 : i32
      %dma_wait3A_134 = tpu.memref_slice %arg6[%dma_wait3A_126, %dma_wait3A_133] : memref<2x16xi32, #tpu.memory_space<vmem>> -> memref<1x16xi32, #tpu.memory_space<vmem>>
      %dma_wait3A_135 = tpu.memref_squeeze %dma_wait3A_134 : memref<1x16xi32, #tpu.memory_space<vmem>> -> memref<16xi32, #tpu.memory_space<vmem>>
      %dma_wait3A_136 = arith.constant 0 : i32
      %dma_wait3A_137 = arith.constant 0 : i32
      %dma_wait3A_138 = tpu.memref_slice %arg3[%dma_wait3A_136, %dma_wait3A_137] : memref<8192x2048xf32, #tpu.memory_space<hbm>> -> memref<8192x2048xf32, #tpu.memory_space<hbm>>
      %dma_wait3A_139 = tpu.memref_slice %arg8[%dma_wait3A_128] : memref<2x!tpu.dma_semaphore, #tpu.memory_space<semaphore_mem>> -> memref<1x!tpu.dma_semaphore, #tpu.memory_space<semaphore_mem>>
      %dma_wait3A_140 = tpu.memref_squeeze %dma_wait3A_139 : memref<1x!tpu.dma_semaphore, #tpu.memory_space<semaphore_mem>> -> memref<!tpu.dma_semaphore, #tpu.memory_space<semaphore_mem>>
      tpu.wait_indirect_dma semaphore(%dma_wait3A_140 : memref<!tpu.dma_semaphore, #tpu.memory_space<semaphore_mem>>) src(%dma_wait3A_138 : memref<8192x2048xf32, #tpu.memory_space<hbm>>) dst(%dma_wait3A_132 : memref<16x2048xf32, #tpu.memory_space<vmem>>)
      %mul3A_141 = arith.constant 16 : i32
      %mul3A_142 = arith.muli %add3A_125, %mul3A_141 : i32
      %add3A_143 = arith.addi %mul3A_2, %mul3A_142 : i32
      %dma_start3A_144 = arith.constant 0 : i32
      %dma_start3A_145 = arith.constant 0 : i32
      %dma_start3A_146 = arith.constant 0 : i32
      %dma_start3A_147 = arith.constant 0 : i32
      %dma_start3A_148 = arith.constant 0 : i32
      %dma_start3A_149 = tpu.memref_slice %arg7[%dma_start3A_144, %dma_start3A_147, %dma_start3A_148] : memref<2x16x2048xf32, #tpu.memory_space<vmem>> -> memref<1x16x2048xf32, #tpu.memory_space<vmem>>
      %dma_start3A_150 = tpu.memref_squeeze %dma_start3A_149 : memref<1x16x2048xf32, #tpu.memory_space<vmem>> -> memref<16x2048xf32, #tpu.memory_space<vmem>>
      %dma_start3A_151 = arith.constant 0 : i32
      %dma_start3A_152 = tpu.memref_slice %arg4[%add3A_143, %dma_start3A_145, %dma_start3A_151] : memref<4096x4x2048xf32, #tpu.memory_space<hbm>> -> memref<16x1x2048xf32, #tpu.memory_space<hbm>>
      %dma_start3A_153 = tpu.memref_squeeze %dma_start3A_152 : memref<16x1x2048xf32, #tpu.memory_space<hbm>> -> memref<16x2048xf32, #tpu.memory_space<hbm>>
      %dma_start3A_154 = tpu.memref_slice %arg9[%dma_start3A_146] : memref<2x!tpu.dma_semaphore, #tpu.memory_space<semaphore_mem>> -> memref<1x!tpu.dma_semaphore, #tpu.memory_space<semaphore_mem>>
      %dma_start3A_155 = tpu.memref_squeeze %dma_start3A_154 : memref<1x!tpu.dma_semaphore, #tpu.memory_space<semaphore_mem>> -> memref<!tpu.dma_semaphore, #tpu.memory_space<semaphore_mem>>
      %dma_start3A_156 = arith.constant 0 : i32
      %dma_start3A_157 = tpu.memref_slice %arg4[%add3A_143, %dma_start3A_145, %dma_start3A_156] : memref<4096x4x2048xf32, #tpu.memory_space<hbm>> -> memref<16x1x2048xf32, #tpu.memory_space<hbm>>
      %dma_start3A_158 = tpu.memref_squeeze %dma_start3A_157 : memref<16x1x2048xf32, #tpu.memory_space<hbm>> -> memref<16x2048xf32, #tpu.memory_space<hbm>>
      %dma_start3A_159 = arith.constant 0 : i32
      %dma_start3A_160 = arith.constant 0 : i32
      %dma_start3A_161 = tpu.memref_slice %arg7[%dma_start3A_144, %dma_start3A_159, %dma_start3A_160] : memref<2x16x2048xf32, #tpu.memory_space<vmem>> -> memref<1x16x2048xf32, #tpu.memory_space<vmem>>
      %dma_start3A_162 = tpu.memref_squeeze %dma_start3A_161 : memref<1x16x2048xf32, #tpu.memory_space<vmem>> -> memref<16x2048xf32, #tpu.memory_space<vmem>>
      tpu.enqueue_dma source(%dma_start3A_162 : memref<16x2048xf32, #tpu.memory_space<vmem>>) target(%dma_start3A_158 : memref<16x2048xf32, #tpu.memory_space<hbm>>) target_semaphore(%dma_start3A_155 : memref<!tpu.dma_semaphore, #tpu.memory_space<semaphore_mem>>)
      %mul3A_163 = arith.constant 16 : i32
      %mul3A_164 = arith.muli %add3A_125, %mul3A_163 : i32
      %add3A_165 = arith.addi %mul3A_2, %mul3A_164 : i32
      %dma_start3A_166 = arith.constant 0 : i32
      %dma_start3A_167 = arith.constant 1 : i32
      %dma_start3A_168 = arith.constant 0 : i32
      %dma_start3A_169 = arith.constant 0 : i32
      %dma_start3A_170 = arith.constant 0 : i32
      %dma_start3A_171 = tpu.memref_slice %arg7[%dma_start3A_166, %dma_start3A_169, %dma_start3A_170] : memref<2x16x2048xf32, #tpu.memory_space<vmem>> -> memref<1x16x2048xf32, #tpu.memory_space<vmem>>
      %dma_start3A_172 = tpu.memref_squeeze %dma_start3A_171 : memref<1x16x2048xf32, #tpu.memory_space<vmem>> -> memref<16x2048xf32, #tpu.memory_space<vmem>>
      %dma_start3A_173 = arith.constant 0 : i32
      %dma_start3A_174 = tpu.memref_slice %arg4[%add3A_165, %dma_start3A_167, %dma_start3A_173] : memref<4096x4x2048xf32, #tpu.memory_space<hbm>> -> memref<16x1x2048xf32, #tpu.memory_space<hbm>>
      %dma_start3A_175 = tpu.memref_squeeze %dma_start3A_174 : memref<16x1x2048xf32, #tpu.memory_space<hbm>> -> memref<16x2048xf32, #tpu.memory_space<hbm>>
      %dma_start3A_176 = tpu.memref_slice %arg9[%dma_start3A_168] : memref<2x!tpu.dma_semaphore, #tpu.memory_space<semaphore_mem>> -> memref<1x!tpu.dma_semaphore, #tpu.memory_space<semaphore_mem>>
      %dma_start3A_177 = tpu.memref_squeeze %dma_start3A_176 : memref<1x!tpu.dma_semaphore, #tpu.memory_space<semaphore_mem>> -> memref<!tpu.dma_semaphore, #tpu.memory_space<semaphore_mem>>
      %dma_start3A_178 = arith.constant 0 : i32
      %dma_start3A_179 = tpu.memref_slice %arg4[%add3A_165, %dma_start3A_167, %dma_start3A_178] : memref<4096x4x2048xf32, #tpu.memory_space<hbm>> -> memref<16x1x2048xf32, #tpu.memory_space<hbm>>
      %dma_start3A_180 = tpu.memref_squeeze %dma_start3A_179 : memref<16x1x2048xf32, #tpu.memory_space<hbm>> -> memref<16x2048xf32, #tpu.memory_space<hbm>>
      %dma_start3A_181 = arith.constant 0 : i32
      %dma_start3A_182 = arith.constant 0 : i32
      %dma_start3A_183 = tpu.memref_slice %arg7[%dma_start3A_166, %dma_start3A_181, %dma_start3A_182] : memref<2x16x2048xf32, #tpu.memory_space<vmem>> -> memref<1x16x2048xf32, #tpu.memory_space<vmem>>
      %dma_start3A_184 = tpu.memref_squeeze %dma_start3A_183 : memref<1x16x2048xf32, #tpu.memory_space<vmem>> -> memref<16x2048xf32, #tpu.memory_space<vmem>>
      tpu.enqueue_dma source(%dma_start3A_184 : memref<16x2048xf32, #tpu.memory_space<vmem>>) target(%dma_start3A_180 : memref<16x2048xf32, #tpu.memory_space<hbm>>) target_semaphore(%dma_start3A_177 : memref<!tpu.dma_semaphore, #tpu.memory_space<semaphore_mem>>)
      %mul3A_185 = arith.constant 16 : i32
      %mul3A_186 = arith.muli %add3A_125, %mul3A_185 : i32
      %add3A_187 = arith.addi %mul3A_2, %mul3A_186 : i32
      %dma_start3A_188 = arith.constant 0 : i32
      %dma_start3A_189 = arith.constant 2 : i32
      %dma_start3A_190 = arith.constant 0 : i32
      %dma_start3A_191 = arith.constant 0 : i32
      %dma_start3A_192 = arith.constant 0 : i32
      %dma_start3A_193 = tpu.memref_slice %arg7[%dma_start3A_188, %dma_start3A_191, %dma_start3A_192] : memref<2x16x2048xf32, #tpu.memory_space<vmem>> -> memref<1x16x2048xf32, #tpu.memory_space<vmem>>
      %dma_start3A_194 = tpu.memref_squeeze %dma_start3A_193 : memref<1x16x2048xf32, #tpu.memory_space<vmem>> -> memref<16x2048xf32, #tpu.memory_space<vmem>>
      %dma_start3A_195 = arith.constant 0 : i32
      %dma_start3A_196 = tpu.memref_slice %arg4[%add3A_187, %dma_start3A_189, %dma_start3A_195] : memref<4096x4x2048xf32, #tpu.memory_space<hbm>> -> memref<16x1x2048xf32, #tpu.memory_space<hbm>>
      %dma_start3A_197 = tpu.memref_squeeze %dma_start3A_196 : memref<16x1x2048xf32, #tpu.memory_space<hbm>> -> memref<16x2048xf32, #tpu.memory_space<hbm>>
      %dma_start3A_198 = tpu.memref_slice %arg9[%dma_start3A_190] : memref<2x!tpu.dma_semaphore, #tpu.memory_space<semaphore_mem>> -> memref<1x!tpu.dma_semaphore, #tpu.memory_space<semaphore_mem>>
      %dma_start3A_199 = tpu.memref_squeeze %dma_start3A_198 : memref<1x!tpu.dma_semaphore, #tpu.memory_space<semaphore_mem>> -> memref<!tpu.dma_semaphore, #tpu.memory_space<semaphore_mem>>
      %dma_start3A_200 = arith.constant 0 : i32
      %dma_start3A_201 = tpu.memref_slice %arg4[%add3A_187, %dma_start3A_189, %dma_start3A_200] : memref<4096x4x2048xf32, #tpu.memory_space<hbm>> -> memref<16x1x2048xf32, #tpu.memory_space<hbm>>
      %dma_start3A_202 = tpu.memref_squeeze %dma_start3A_201 : memref<16x1x2048xf32, #tpu.memory_space<hbm>> -> memref<16x2048xf32, #tpu.memory_space<hbm>>
      %dma_start3A_203 = arith.constant 0 : i32
      %dma_start3A_204 = arith.constant 0 : i32
      %dma_start3A_205 = tpu.memref_slice %arg7[%dma_start3A_188, %dma_start3A_203, %dma_start3A_204] : memref<2x16x2048xf32, #tpu.memory_space<vmem>> -> memref<1x16x2048xf32, #tpu.memory_space<vmem>>
      %dma_start3A_206 = tpu.memref_squeeze %dma_start3A_205 : memref<1x16x2048xf32, #tpu.memory_space<vmem>> -> memref<16x2048xf32, #tpu.memory_space<vmem>>
      tpu.enqueue_dma source(%dma_start3A_206 : memref<16x2048xf32, #tpu.memory_space<vmem>>) target(%dma_start3A_202 : memref<16x2048xf32, #tpu.memory_space<hbm>>) target_semaphore(%dma_start3A_199 : memref<!tpu.dma_semaphore, #tpu.memory_space<semaphore_mem>>)
      %mul3A_207 = arith.constant 16 : i32
      %mul3A_208 = arith.muli %add3A_125, %mul3A_207 : i32
      %add3A_209 = arith.addi %mul3A_2, %mul3A_208 : i32
      %dma_start3A_210 = arith.constant 0 : i32
      %dma_start3A_211 = arith.constant 3 : i32
      %dma_start3A_212 = arith.constant 0 : i32
      %dma_start3A_213 = arith.constant 0 : i32
      %dma_start3A_214 = arith.constant 0 : i32
      %dma_start3A_215 = tpu.memref_slice %arg7[%dma_start3A_210, %dma_start3A_213, %dma_start3A_214] : memref<2x16x2048xf32, #tpu.memory_space<vmem>> -> memref<1x16x2048xf32, #tpu.memory_space<vmem>>
      %dma_start3A_216 = tpu.memref_squeeze %dma_start3A_215 : memref<1x16x2048xf32, #tpu.memory_space<vmem>> -> memref<16x2048xf32, #tpu.memory_space<vmem>>
      %dma_start3A_217 = arith.constant 0 : i32
      %dma_start3A_218 = tpu.memref_slice %arg4[%add3A_209, %dma_start3A_211, %dma_start3A_217] : memref<4096x4x2048xf32, #tpu.memory_space<hbm>> -> memref<16x1x2048xf32, #tpu.memory_space<hbm>>
      %dma_start3A_219 = tpu.memref_squeeze %dma_start3A_218 : memref<16x1x2048xf32, #tpu.memory_space<hbm>> -> memref<16x2048xf32, #tpu.memory_space<hbm>>
      %dma_start3A_220 = tpu.memref_slice %arg9[%dma_start3A_212] : memref<2x!tpu.dma_semaphore, #tpu.memory_space<semaphore_mem>> -> memref<1x!tpu.dma_semaphore, #tpu.memory_space<semaphore_mem>>
      %dma_start3A_221 = tpu.memref_squeeze %dma_start3A_220 : memref<1x!tpu.dma_semaphore, #tpu.memory_space<semaphore_mem>> -> memref<!tpu.dma_semaphore, #tpu.memory_space<semaphore_mem>>
      %dma_start3A_222 = arith.constant 0 : i32
      %dma_start3A_223 = tpu.memref_slice %arg4[%add3A_209, %dma_start3A_211, %dma_start3A_222] : memref<4096x4x2048xf32, #tpu.memory_space<hbm>> -> memref<16x1x2048xf32, #tpu.memory_space<hbm>>
      %dma_start3A_224 = tpu.memref_squeeze %dma_start3A_223 : memref<16x1x2048xf32, #tpu.memory_space<hbm>> -> memref<16x2048xf32, #tpu.memory_space<hbm>>
      %dma_start3A_225 = arith.constant 0 : i32
      %dma_start3A_226 = arith.constant 0 : i32
      %dma_start3A_227 = tpu.memref_slice %arg7[%dma_start3A_210, %dma_start3A_225, %dma_start3A_226] : memref<2x16x2048xf32, #tpu.memory_space<vmem>> -> memref<1x16x2048xf32, #tpu.memory_space<vmem>>
      %dma_start3A_228 = tpu.memref_squeeze %dma_start3A_227 : memref<1x16x2048xf32, #tpu.memory_space<vmem>> -> memref<16x2048xf32, #tpu.memory_space<vmem>>
      tpu.enqueue_dma source(%dma_start3A_228 : memref<16x2048xf32, #tpu.memory_space<vmem>>) target(%dma_start3A_224 : memref<16x2048xf32, #tpu.memory_space<hbm>>) target_semaphore(%dma_start3A_221 : memref<!tpu.dma_semaphore, #tpu.memory_space<semaphore_mem>>)
      %ge3A = arith.constant 1 : i32
      %ge3A_229 = arith.cmpi sge, %add3A_125, %ge3A : i32
      %convert_element_type3A = arith.extui %ge3A_229 : i1 to i32
      %cond3A = arith.constant 0 : i32
      %cond3A_230 = arith.cmpi ne, %convert_element_type3A, %cond3A : i32
      scf.if %cond3A_230 {
        %sub3A = arith.constant 1 : i32
        %sub3A_354 = arith.subi %add3A_125, %sub3A : i32
        %mul3A_355 = arith.constant 16 : i32
        %mul3A_356 = arith.muli %sub3A_354, %mul3A_355 : i32
        %add3A_357 = arith.addi %mul3A_2, %mul3A_356 : i32
        %dma_wait3A_358 = arith.constant 1 : i32
        %dma_wait3A_359 = arith.constant 0 : i32
        %dma_wait3A_360 = arith.constant 1 : i32
        %dma_wait3A_361 = arith.constant 0 : i32
        %dma_wait3A_362 = arith.constant 0 : i32
        %dma_wait3A_363 = tpu.memref_slice %arg7[%dma_wait3A_358, %dma_wait3A_361, %dma_wait3A_362] : memref<2x16x2048xf32, #tpu.memory_space<vmem>> -> memref<1x16x2048xf32, #tpu.memory_space<vmem>>
        %dma_wait3A_364 = tpu.memref_squeeze %dma_wait3A_363 : memref<1x16x2048xf32, #tpu.memory_space<vmem>> -> memref<16x2048xf32, #tpu.memory_space<vmem>>
        %dma_wait3A_365 = arith.constant 0 : i32
        %dma_wait3A_366 = tpu.memref_slice %arg4[%add3A_357, %dma_wait3A_359, %dma_wait3A_365] : memref<4096x4x2048xf32, #tpu.memory_space<hbm>> -> memref<16x1x2048xf32, #tpu.memory_space<hbm>>
        %dma_wait3A_367 = tpu.memref_squeeze %dma_wait3A_366 : memref<16x1x2048xf32, #tpu.memory_space<hbm>> -> memref<16x2048xf32, #tpu.memory_space<hbm>>
        %dma_wait3A_368 = tpu.memref_slice %arg9[%dma_wait3A_360] : memref<2x!tpu.dma_semaphore, #tpu.memory_space<semaphore_mem>> -> memref<1x!tpu.dma_semaphore, #tpu.memory_space<semaphore_mem>>
        %dma_wait3A_369 = tpu.memref_squeeze %dma_wait3A_368 : memref<1x!tpu.dma_semaphore, #tpu.memory_space<semaphore_mem>> -> memref<!tpu.dma_semaphore, #tpu.memory_space<semaphore_mem>>
        %dma_wait3A_370 = arith.constant 0 : i32
        %dma_wait3A_371 = tpu.memref_slice %arg4[%add3A_357, %dma_wait3A_359, %dma_wait3A_370] : memref<4096x4x2048xf32, #tpu.memory_space<hbm>> -> memref<16x1x2048xf32, #tpu.memory_space<hbm>>
        %dma_wait3A_372 = tpu.memref_squeeze %dma_wait3A_371 : memref<16x1x2048xf32, #tpu.memory_space<hbm>> -> memref<16x2048xf32, #tpu.memory_space<hbm>>
        %dma_wait3A_373 = arith.constant 0 : i32
        %dma_wait3A_374 = arith.constant 0 : i32
        %dma_wait3A_375 = tpu.memref_slice %arg7[%dma_wait3A_358, %dma_wait3A_373, %dma_wait3A_374] : memref<2x16x2048xf32, #tpu.memory_space<vmem>> -> memref<1x16x2048xf32, #tpu.memory_space<vmem>>
        %dma_wait3A_376 = tpu.memref_squeeze %dma_wait3A_375 : memref<1x16x2048xf32, #tpu.memory_space<vmem>> -> memref<16x2048xf32, #tpu.memory_space<vmem>>
        tpu.wait_dma2 semaphore(%dma_wait3A_369 : memref<!tpu.dma_semaphore, #tpu.memory_space<semaphore_mem>>) src(%dma_wait3A_376 : memref<16x2048xf32, #tpu.memory_space<vmem>>) dst(%dma_wait3A_372 : memref<16x2048xf32, #tpu.memory_space<hbm>>)
        %sub3A_377 = arith.constant 1 : i32
        %sub3A_378 = arith.subi %add3A_125, %sub3A_377 : i32
        %mul3A_379 = arith.constant 16 : i32
        %mul3A_380 = arith.muli %sub3A_378, %mul3A_379 : i32
        %add3A_381 = arith.addi %mul3A_2, %mul3A_380 : i32
        %dma_wait3A_382 = arith.constant 1 : i32
        %dma_wait3A_383 = arith.constant 1 : i32
        %dma_wait3A_384 = arith.constant 1 : i32
        %dma_wait3A_385 = arith.constant 0 : i32
        %dma_wait3A_386 = arith.constant 0 : i32
        %dma_wait3A_387 = tpu.memref_slice %arg7[%dma_wait3A_382, %dma_wait3A_385, %dma_wait3A_386] : memref<2x16x2048xf32, #tpu.memory_space<vmem>> -> memref<1x16x2048xf32, #tpu.memory_space<vmem>>
        %dma_wait3A_388 = tpu.memref_squeeze %dma_wait3A_387 : memref<1x16x2048xf32, #tpu.memory_space<vmem>> -> memref<16x2048xf32, #tpu.memory_space<vmem>>
        %dma_wait3A_389 = arith.constant 0 : i32
        %dma_wait3A_390 = tpu.memref_slice %arg4[%add3A_381, %dma_wait3A_383, %dma_wait3A_389] : memref<4096x4x2048xf32, #tpu.memory_space<hbm>> -> memref<16x1x2048xf32, #tpu.memory_space<hbm>>
        %dma_wait3A_391 = tpu.memref_squeeze %dma_wait3A_390 : memref<16x1x2048xf32, #tpu.memory_space<hbm>> -> memref<16x2048xf32, #tpu.memory_space<hbm>>
        %dma_wait3A_392 = tpu.memref_slice %arg9[%dma_wait3A_384] : memref<2x!tpu.dma_semaphore, #tpu.memory_space<semaphore_mem>> -> memref<1x!tpu.dma_semaphore, #tpu.memory_space<semaphore_mem>>
        %dma_wait3A_393 = tpu.memref_squeeze %dma_wait3A_392 : memref<1x!tpu.dma_semaphore, #tpu.memory_space<semaphore_mem>> -> memref<!tpu.dma_semaphore, #tpu.memory_space<semaphore_mem>>
        %dma_wait3A_394 = arith.constant 0 : i32
        %dma_wait3A_395 = tpu.memref_slice %arg4[%add3A_381, %dma_wait3A_383, %dma_wait3A_394] : memref<4096x4x2048xf32, #tpu.memory_space<hbm>> -> memref<16x1x2048xf32, #tpu.memory_space<hbm>>
        %dma_wait3A_396 = tpu.memref_squeeze %dma_wait3A_395 : memref<16x1x2048xf32, #tpu.memory_space<hbm>> -> memref<16x2048xf32, #tpu.memory_space<hbm>>
        %dma_wait3A_397 = arith.constant 0 : i32
        %dma_wait3A_398 = arith.constant 0 : i32
        %dma_wait3A_399 = tpu.memref_slice %arg7[%dma_wait3A_382, %dma_wait3A_397, %dma_wait3A_398] : memref<2x16x2048xf32, #tpu.memory_space<vmem>> -> memref<1x16x2048xf32, #tpu.memory_space<vmem>>
        %dma_wait3A_400 = tpu.memref_squeeze %dma_wait3A_399 : memref<1x16x2048xf32, #tpu.memory_space<vmem>> -> memref<16x2048xf32, #tpu.memory_space<vmem>>
        tpu.wait_dma2 semaphore(%dma_wait3A_393 : memref<!tpu.dma_semaphore, #tpu.memory_space<semaphore_mem>>) src(%dma_wait3A_400 : memref<16x2048xf32, #tpu.memory_space<vmem>>) dst(%dma_wait3A_396 : memref<16x2048xf32, #tpu.memory_space<hbm>>)
        %sub3A_401 = arith.constant 1 : i32
        %sub3A_402 = arith.subi %add3A_125, %sub3A_401 : i32
        %mul3A_403 = arith.constant 16 : i32
        %mul3A_404 = arith.muli %sub3A_402, %mul3A_403 : i32
        %add3A_405 = arith.addi %mul3A_2, %mul3A_404 : i32
        %dma_wait3A_406 = arith.constant 1 : i32
        %dma_wait3A_407 = arith.constant 2 : i32
        %dma_wait3A_408 = arith.constant 1 : i32
        %dma_wait3A_409 = arith.constant 0 : i32
        %dma_wait3A_410 = arith.constant 0 : i32
        %dma_wait3A_411 = tpu.memref_slice %arg7[%dma_wait3A_406, %dma_wait3A_409, %dma_wait3A_410] : memref<2x16x2048xf32, #tpu.memory_space<vmem>> -> memref<1x16x2048xf32, #tpu.memory_space<vmem>>
        %dma_wait3A_412 = tpu.memref_squeeze %dma_wait3A_411 : memref<1x16x2048xf32, #tpu.memory_space<vmem>> -> memref<16x2048xf32, #tpu.memory_space<vmem>>
        %dma_wait3A_413 = arith.constant 0 : i32
        %dma_wait3A_414 = tpu.memref_slice %arg4[%add3A_405, %dma_wait3A_407, %dma_wait3A_413] : memref<4096x4x2048xf32, #tpu.memory_space<hbm>> -> memref<16x1x2048xf32, #tpu.memory_space<hbm>>
        %dma_wait3A_415 = tpu.memref_squeeze %dma_wait3A_414 : memref<16x1x2048xf32, #tpu.memory_space<hbm>> -> memref<16x2048xf32, #tpu.memory_space<hbm>>
        %dma_wait3A_416 = tpu.memref_slice %arg9[%dma_wait3A_408] : memref<2x!tpu.dma_semaphore, #tpu.memory_space<semaphore_mem>> -> memref<1x!tpu.dma_semaphore, #tpu.memory_space<semaphore_mem>>
        %dma_wait3A_417 = tpu.memref_squeeze %dma_wait3A_416 : memref<1x!tpu.dma_semaphore, #tpu.memory_space<semaphore_mem>> -> memref<!tpu.dma_semaphore, #tpu.memory_space<semaphore_mem>>
        %dma_wait3A_418 = arith.constant 0 : i32
        %dma_wait3A_419 = tpu.memref_slice %arg4[%add3A_405, %dma_wait3A_407, %dma_wait3A_418] : memref<4096x4x2048xf32, #tpu.memory_space<hbm>> -> memref<16x1x2048xf32, #tpu.memory_space<hbm>>
        %dma_wait3A_420 = tpu.memref_squeeze %dma_wait3A_419 : memref<16x1x2048xf32, #tpu.memory_space<hbm>> -> memref<16x2048xf32, #tpu.memory_space<hbm>>
        %dma_wait3A_421 = arith.constant 0 : i32
        %dma_wait3A_422 = arith.constant 0 : i32
        %dma_wait3A_423 = tpu.memref_slice %arg7[%dma_wait3A_406, %dma_wait3A_421, %dma_wait3A_422] : memref<2x16x2048xf32, #tpu.memory_space<vmem>> -> memref<1x16x2048xf32, #tpu.memory_space<vmem>>
        %dma_wait3A_424 = tpu.memref_squeeze %dma_wait3A_423 : memref<1x16x2048xf32, #tpu.memory_space<vmem>> -> memref<16x2048xf32, #tpu.memory_space<vmem>>
        tpu.wait_dma2 semaphore(%dma_wait3A_417 : memref<!tpu.dma_semaphore, #tpu.memory_space<semaphore_mem>>) src(%dma_wait3A_424 : memref<16x2048xf32, #tpu.memory_space<vmem>>) dst(%dma_wait3A_420 : memref<16x2048xf32, #tpu.memory_space<hbm>>)
        %sub3A_425 = arith.constant 1 : i32
        %sub3A_426 = arith.subi %add3A_125, %sub3A_425 : i32
        %mul3A_427 = arith.constant 16 : i32
        %mul3A_428 = arith.muli %sub3A_426, %mul3A_427 : i32
        %add3A_429 = arith.addi %mul3A_2, %mul3A_428 : i32
        %dma_wait3A_430 = arith.constant 1 : i32
        %dma_wait3A_431 = arith.constant 3 : i32
        %dma_wait3A_432 = arith.constant 1 : i32
        %dma_wait3A_433 = arith.constant 0 : i32
        %dma_wait3A_434 = arith.constant 0 : i32
        %dma_wait3A_435 = tpu.memref_slice %arg7[%dma_wait3A_430, %dma_wait3A_433, %dma_wait3A_434] : memref<2x16x2048xf32, #tpu.memory_space<vmem>> -> memref<1x16x2048xf32, #tpu.memory_space<vmem>>
        %dma_wait3A_436 = tpu.memref_squeeze %dma_wait3A_435 : memref<1x16x2048xf32, #tpu.memory_space<vmem>> -> memref<16x2048xf32, #tpu.memory_space<vmem>>
        %dma_wait3A_437 = arith.constant 0 : i32
        %dma_wait3A_438 = tpu.memref_slice %arg4[%add3A_429, %dma_wait3A_431, %dma_wait3A_437] : memref<4096x4x2048xf32, #tpu.memory_space<hbm>> -> memref<16x1x2048xf32, #tpu.memory_space<hbm>>
        %dma_wait3A_439 = tpu.memref_squeeze %dma_wait3A_438 : memref<16x1x2048xf32, #tpu.memory_space<hbm>> -> memref<16x2048xf32, #tpu.memory_space<hbm>>
        %dma_wait3A_440 = tpu.memref_slice %arg9[%dma_wait3A_432] : memref<2x!tpu.dma_semaphore, #tpu.memory_space<semaphore_mem>> -> memref<1x!tpu.dma_semaphore, #tpu.memory_space<semaphore_mem>>
        %dma_wait3A_441 = tpu.memref_squeeze %dma_wait3A_440 : memref<1x!tpu.dma_semaphore, #tpu.memory_space<semaphore_mem>> -> memref<!tpu.dma_semaphore, #tpu.memory_space<semaphore_mem>>
        %dma_wait3A_442 = arith.constant 0 : i32
        %dma_wait3A_443 = tpu.memref_slice %arg4[%add3A_429, %dma_wait3A_431, %dma_wait3A_442] : memref<4096x4x2048xf32, #tpu.memory_space<hbm>> -> memref<16x1x2048xf32, #tpu.memory_space<hbm>>
        %dma_wait3A_444 = tpu.memref_squeeze %dma_wait3A_443 : memref<16x1x2048xf32, #tpu.memory_space<hbm>> -> memref<16x2048xf32, #tpu.memory_space<hbm>>
        %dma_wait3A_445 = arith.constant 0 : i32
        %dma_wait3A_446 = arith.constant 0 : i32
        %dma_wait3A_447 = tpu.memref_slice %arg7[%dma_wait3A_430, %dma_wait3A_445, %dma_wait3A_446] : memref<2x16x2048xf32, #tpu.memory_space<vmem>> -> memref<1x16x2048xf32, #tpu.memory_space<vmem>>
        %dma_wait3A_448 = tpu.memref_squeeze %dma_wait3A_447 : memref<1x16x2048xf32, #tpu.memory_space<vmem>> -> memref<16x2048xf32, #tpu.memory_space<vmem>>
        tpu.wait_dma2 semaphore(%dma_wait3A_441 : memref<!tpu.dma_semaphore, #tpu.memory_space<semaphore_mem>>) src(%dma_wait3A_448 : memref<16x2048xf32, #tpu.memory_space<vmem>>) dst(%dma_wait3A_444 : memref<16x2048xf32, #tpu.memory_space<hbm>>)
      } else {
      }
      %add3A_231 = arith.constant 1 : i32
      %add3A_232 = arith.addi %add3A_125, %add3A_231 : i32
      %lt3A = arith.constant 8 : i32
      %lt3A_233 = arith.cmpi slt, %add3A_232, %lt3A : i32
      %convert_element_type3A_234 = arith.extui %lt3A_233 : i1 to i32
      %cond3A_235 = arith.constant 0 : i32
      %cond3A_236 = arith.cmpi ne, %convert_element_type3A_234, %cond3A_235 : i32
      scf.if %cond3A_236 {
        %add3A_354 = arith.constant 1 : i32
        %add3A_355 = arith.addi %add3A_125, %add3A_354 : i32
        %mul3A_356 = arith.constant 16 : i32
        %mul3A_357 = arith.muli %add3A_355, %mul3A_356 : i32
        %add3A_358 = arith.addi %mul3A_2, %mul3A_357 : i32
        %add3A_359 = vector.broadcast %add3A_358 : i32 to vector<16xi32>
        %add3A_360 = arith.addi %get3A_4, %add3A_359 : vector<16xi32>
        %add3A_361 = arith.addi %add3A_360, %iota3A : vector<16xi32>
        %swap3A_362 = arith.constant 1 : i32
        %swap3A_363 = arith.index_cast %swap3A_362 : i32 to index
        %swap3A_364 = arith.constant 0 : index
        %swap3A_365 = tpu.vector_load %arg6[%swap3A_363, %swap3A_364] {strides = array<i32>} : memref<2x16xi32, #tpu.memory_space<vmem>>, vector<1x16xi32>,
        %swap3A_366 = vector.shape_cast %swap3A_365 : vector<1x16xi32> to vector<16xi32>
        %swap3A_367 = vector.shape_cast %add3A_361 : vector<16xi32> to vector<1x16xi32>
        tpu.vector_store %arg6[%swap3A_363, %swap3A_364], %swap3A_367 {strides = array<i32>} : memref<2x16xi32, #tpu.memory_space<vmem>>, vector<1x16xi32>,
        %dma_start3A_368 = arith.constant 1 : i32
        %dma_start3A_369 = arith.constant 1 : i32
        %dma_start3A_370 = arith.constant 1 : i32
        %dma_start3A_371 = arith.constant 0 : i32
        %dma_start3A_372 = arith.constant 0 : i32
        %dma_start3A_373 = tpu.memref_slice %arg7[%dma_start3A_369, %dma_start3A_371, %dma_start3A_372] : memref<2x16x2048xf32, #tpu.memory_space<vmem>> -> memref<1x16x2048xf32, #tpu.memory_space<vmem>>
        %dma_start3A_374 = tpu.memref_squeeze %dma_start3A_373 : memref<1x16x2048xf32, #tpu.memory_space<vmem>> -> memref<16x2048xf32, #tpu.memory_space<vmem>>
        %dma_start3A_375 = arith.constant 0 : i32
        %dma_start3A_376 = tpu.memref_slice %arg6[%dma_start3A_368, %dma_start3A_375] : memref<2x16xi32, #tpu.memory_space<vmem>> -> memref<1x16xi32, #tpu.memory_space<vmem>>
        %dma_start3A_377 = tpu.memref_squeeze %dma_start3A_376 : memref<1x16xi32, #tpu.memory_space<vmem>> -> memref<16xi32, #tpu.memory_space<vmem>>
        %dma_start3A_378 = arith.constant 0 : i32
        %dma_start3A_379 = arith.constant 0 : i32
        %dma_start3A_380 = tpu.memref_slice %arg3[%dma_start3A_378, %dma_start3A_379] : memref<8192x2048xf32, #tpu.memory_space<hbm>> -> memref<8192x2048xf32, #tpu.memory_space<hbm>>
        %dma_start3A_381 = tpu.memref_slice %arg8[%dma_start3A_370] : memref<2x!tpu.dma_semaphore, #tpu.memory_space<semaphore_mem>> -> memref<1x!tpu.dma_semaphore, #tpu.memory_space<semaphore_mem>>
        %dma_start3A_382 = tpu.memref_squeeze %dma_start3A_381 : memref<1x!tpu.dma_semaphore, #tpu.memory_space<semaphore_mem>> -> memref<!tpu.dma_semaphore, #tpu.memory_space<semaphore_mem>>
        tpu.enqueue_indirect_dma source(%dma_start3A_380 : memref<8192x2048xf32, #tpu.memory_space<hbm>>) target(%dma_start3A_374 : memref<16x2048xf32, #tpu.memory_space<vmem>>) offsets(%dma_start3A_377 : memref<16xi32, #tpu.memory_space<vmem>>) semaphore(%dma_start3A_382 : memref<!tpu.dma_semaphore, #tpu.memory_space<semaphore_mem>>)
      } else {
      }
      %add3A_237 = arith.constant 1 : i32
      %add3A_238 = arith.addi %add3A_123, %add3A_237 : i32
      %dma_wait3A_239 = arith.constant 1 : i32
      %dma_wait3A_240 = arith.constant 1 : i32
      %dma_wait3A_241 = arith.constant 1 : i32
      %dma_wait3A_242 = arith.constant 0 : i32
      %dma_wait3A_243 = arith.constant 0 : i32
      %dma_wait3A_244 = tpu.memref_slice %arg7[%dma_wait3A_240, %dma_wait3A_242, %dma_wait3A_243] : memref<2x16x2048xf32, #tpu.memory_space<vmem>> -> memref<1x16x2048xf32, #tpu.memory_space<vmem>>
      %dma_wait3A_245 = tpu.memref_squeeze %dma_wait3A_244 : memref<1x16x2048xf32, #tpu.memory_space<vmem>> -> memref<16x2048xf32, #tpu.memory_space<vmem>>
      %dma_wait3A_246 = arith.constant 0 : i32
      %dma_wait3A_247 = tpu.memref_slice %arg6[%dma_wait3A_239, %dma_wait3A_246] : memref<2x16xi32, #tpu.memory_space<vmem>> -> memref<1x16xi32, #tpu.memory_space<vmem>>
      %dma_wait3A_248 = tpu.memref_squeeze %dma_wait3A_247 : memref<1x16xi32, #tpu.memory_space<vmem>> -> memref<16xi32, #tpu.memory_space<vmem>>
      %dma_wait3A_249 = arith.constant 0 : i32
      %dma_wait3A_250 = arith.constant 0 : i32
      %dma_wait3A_251 = tpu.memref_slice %arg3[%dma_wait3A_249, %dma_wait3A_250] : memref<8192x2048xf32, #tpu.memory_space<hbm>> -> memref<8192x2048xf32, #tpu.memory_space<hbm>>
      %dma_wait3A_252 = tpu.memref_slice %arg8[%dma_wait3A_241] : memref<2x!tpu.dma_semaphore, #tpu.memory_space<semaphore_mem>> -> memref<1x!tpu.dma_semaphore, #tpu.memory_space<semaphore_mem>>
      %dma_wait3A_253 = tpu.memref_squeeze %dma_wait3A_252 : memref<1x!tpu.dma_semaphore, #tpu.memory_space<semaphore_mem>> -> memref<!tpu.dma_semaphore, #tpu.memory_space<semaphore_mem>>
      tpu.wait_indirect_dma semaphore(%dma_wait3A_253 : memref<!tpu.dma_semaphore, #tpu.memory_space<semaphore_mem>>) src(%dma_wait3A_251 : memref<8192x2048xf32, #tpu.memory_space<hbm>>) dst(%dma_wait3A_245 : memref<16x2048xf32, #tpu.memory_space<vmem>>)
      %mul3A_254 = arith.constant 16 : i32
      %mul3A_255 = arith.muli %add3A_238, %mul3A_254 : i32
      %add3A_256 = arith.addi %mul3A_2, %mul3A_255 : i32
      %dma_start3A_257 = arith.constant 1 : i32
      %dma_start3A_258 = arith.constant 0 : i32
      %dma_start3A_259 = arith.constant 1 : i32
      %dma_start3A_260 = arith.constant 0 : i32
      %dma_start3A_261 = arith.constant 0 : i32
      %dma_start3A_262 = tpu.memref_slice %arg7[%dma_start3A_257, %dma_start3A_260, %dma_start3A_261] : memref<2x16x2048xf32, #tpu.memory_space<vmem>> -> memref<1x16x2048xf32, #tpu.memory_space<vmem>>
      %dma_start3A_263 = tpu.memref_squeeze %dma_start3A_262 : memref<1x16x2048xf32, #tpu.memory_space<vmem>> -> memref<16x2048xf32, #tpu.memory_space<vmem>>
      %dma_start3A_264 = arith.constant 0 : i32
      %dma_start3A_265 = tpu.memref_slice %arg4[%add3A_256, %dma_start3A_258, %dma_start3A_264] : memref<4096x4x2048xf32, #tpu.memory_space<hbm>> -> memref<16x1x2048xf32, #tpu.memory_space<hbm>>
      %dma_start3A_266 = tpu.memref_squeeze %dma_start3A_265 : memref<16x1x2048xf32, #tpu.memory_space<hbm>> -> memref<16x2048xf32, #tpu.memory_space<hbm>>
      %dma_start3A_267 = tpu.memref_slice %arg9[%dma_start3A_259] : memref<2x!tpu.dma_semaphore, #tpu.memory_space<semaphore_mem>> -> memref<1x!tpu.dma_semaphore, #tpu.memory_space<semaphore_mem>>
      %dma_start3A_268 = tpu.memref_squeeze %dma_start3A_267 : memref<1x!tpu.dma_semaphore, #tpu.memory_space<semaphore_mem>> -> memref<!tpu.dma_semaphore, #tpu.memory_space<semaphore_mem>>
      %dma_start3A_269 = arith.constant 0 : i32
      %dma_start3A_270 = tpu.memref_slice %arg4[%add3A_256, %dma_start3A_258, %dma_start3A_269] : memref<4096x4x2048xf32, #tpu.memory_space<hbm>> -> memref<16x1x2048xf32, #tpu.memory_space<hbm>>
      %dma_start3A_271 = tpu.memref_squeeze %dma_start3A_270 : memref<16x1x2048xf32, #tpu.memory_space<hbm>> -> memref<16x2048xf32, #tpu.memory_space<hbm>>
      %dma_start3A_272 = arith.constant 0 : i32
      %dma_start3A_273 = arith.constant 0 : i32
      %dma_start3A_274 = tpu.memref_slice %arg7[%dma_start3A_257, %dma_start3A_272, %dma_start3A_273] : memref<2x16x2048xf32, #tpu.memory_space<vmem>> -> memref<1x16x2048xf32, #tpu.memory_space<vmem>>
      %dma_start3A_275 = tpu.memref_squeeze %dma_start3A_274 : memref<1x16x2048xf32, #tpu.memory_space<vmem>> -> memref<16x2048xf32, #tpu.memory_space<vmem>>
      tpu.enqueue_dma source(%dma_start3A_275 : memref<16x2048xf32, #tpu.memory_space<vmem>>) target(%dma_start3A_271 : memref<16x2048xf32, #tpu.memory_space<hbm>>) target_semaphore(%dma_start3A_268 : memref<!tpu.dma_semaphore, #tpu.memory_space<semaphore_mem>>)
      %mul3A_276 = arith.constant 16 : i32
      %mul3A_277 = arith.muli %add3A_238, %mul3A_276 : i32
      %add3A_278 = arith.addi %mul3A_2, %mul3A_277 : i32
      %dma_start3A_279 = arith.constant 1 : i32
      %dma_start3A_280 = arith.constant 1 : i32
      %dma_start3A_281 = arith.constant 1 : i32
      %dma_start3A_282 = arith.constant 0 : i32
      %dma_start3A_283 = arith.constant 0 : i32
      %dma_start3A_284 = tpu.memref_slice %arg7[%dma_start3A_279, %dma_start3A_282, %dma_start3A_283] : memref<2x16x2048xf32, #tpu.memory_space<vmem>> -> memref<1x16x2048xf32, #tpu.memory_space<vmem>>
      %dma_start3A_285 = tpu.memref_squeeze %dma_start3A_284 : memref<1x16x2048xf32, #tpu.memory_space<vmem>> -> memref<16x2048xf32, #tpu.memory_space<vmem>>
      %dma_start3A_286 = arith.constant 0 : i32
      %dma_start3A_287 = tpu.memref_slice %arg4[%add3A_278, %dma_start3A_280, %dma_start3A_286] : memref<4096x4x2048xf32, #tpu.memory_space<hbm>> -> memref<16x1x2048xf32, #tpu.memory_space<hbm>>
      %dma_start3A_288 = tpu.memref_squeeze %dma_start3A_287 : memref<16x1x2048xf32, #tpu.memory_space<hbm>> -> memref<16x2048xf32, #tpu.memory_space<hbm>>
      %dma_start3A_289 = tpu.memref_slice %arg9[%dma_start3A_281] : memref<2x!tpu.dma_semaphore, #tpu.memory_space<semaphore_mem>> -> memref<1x!tpu.dma_semaphore, #tpu.memory_space<semaphore_mem>>
      %dma_start3A_290 = tpu.memref_squeeze %dma_start3A_289 : memref<1x!tpu.dma_semaphore, #tpu.memory_space<semaphore_mem>> -> memref<!tpu.dma_semaphore, #tpu.memory_space<semaphore_mem>>
      %dma_start3A_291 = arith.constant 0 : i32
      %dma_start3A_292 = tpu.memref_slice %arg4[%add3A_278, %dma_start3A_280, %dma_start3A_291] : memref<4096x4x2048xf32, #tpu.memory_space<hbm>> -> memref<16x1x2048xf32, #tpu.memory_space<hbm>>
      %dma_start3A_293 = tpu.memref_squeeze %dma_start3A_292 : memref<16x1x2048xf32, #tpu.memory_space<hbm>> -> memref<16x2048xf32, #tpu.memory_space<hbm>>
      %dma_start3A_294 = arith.constant 0 : i32
      %dma_start3A_295 = arith.constant 0 : i32
      %dma_start3A_296 = tpu.memref_slice %arg7[%dma_start3A_279, %dma_start3A_294, %dma_start3A_295] : memref<2x16x2048xf32, #tpu.memory_space<vmem>> -> memref<1x16x2048xf32, #tpu.memory_space<vmem>>
      %dma_start3A_297 = tpu.memref_squeeze %dma_start3A_296 : memref<1x16x2048xf32, #tpu.memory_space<vmem>> -> memref<16x2048xf32, #tpu.memory_space<vmem>>
      tpu.enqueue_dma source(%dma_start3A_297 : memref<16x2048xf32, #tpu.memory_space<vmem>>) target(%dma_start3A_293 : memref<16x2048xf32, #tpu.memory_space<hbm>>) target_semaphore(%dma_start3A_290 : memref<!tpu.dma_semaphore, #tpu.memory_space<semaphore_mem>>)
      %mul3A_298 = arith.constant 16 : i32
      %mul3A_299 = arith.muli %add3A_238, %mul3A_298 : i32
      %add3A_300 = arith.addi %mul3A_2, %mul3A_299 : i32
      %dma_start3A_301 = arith.constant 1 : i32
      %dma_start3A_302 = arith.constant 2 : i32
      %dma_start3A_303 = arith.constant 1 : i32
      %dma_start3A_304 = arith.constant 0 : i32
      %dma_start3A_305 = arith.constant 0 : i32
      %dma_start3A_306 = tpu.memref_slice %arg7[%dma_start3A_301, %dma_start3A_304, %dma_start3A_305] : memref<2x16x2048xf32, #tpu.memory_space<vmem>> -> memref<1x16x2048xf32, #tpu.memory_space<vmem>>
      %dma_start3A_307 = tpu.memref_squeeze %dma_start3A_306 : memref<1x16x2048xf32, #tpu.memory_space<vmem>> -> memref<16x2048xf32, #tpu.memory_space<vmem>>
      %dma_start3A_308 = arith.constant 0 : i32
      %dma_start3A_309 = tpu.memref_slice %arg4[%add3A_300, %dma_start3A_302, %dma_start3A_308] : memref<4096x4x2048xf32, #tpu.memory_space<hbm>> -> memref<16x1x2048xf32, #tpu.memory_space<hbm>>
      %dma_start3A_310 = tpu.memref_squeeze %dma_start3A_309 : memref<16x1x2048xf32, #tpu.memory_space<hbm>> -> memref<16x2048xf32, #tpu.memory_space<hbm>>
      %dma_start3A_311 = tpu.memref_slice %arg9[%dma_start3A_303] : memref<2x!tpu.dma_semaphore, #tpu.memory_space<semaphore_mem>> -> memref<1x!tpu.dma_semaphore, #tpu.memory_space<semaphore_mem>>
      %dma_start3A_312 = tpu.memref_squeeze %dma_start3A_311 : memref<1x!tpu.dma_semaphore, #tpu.memory_space<semaphore_mem>> -> memref<!tpu.dma_semaphore, #tpu.memory_space<semaphore_mem>>
      %dma_start3A_313 = arith.constant 0 : i32
      %dma_start3A_314 = tpu.memref_slice %arg4[%add3A_300, %dma_start3A_302, %dma_start3A_313] : memref<4096x4x2048xf32, #tpu.memory_space<hbm>> -> memref<16x1x2048xf32, #tpu.memory_space<hbm>>
      %dma_start3A_315 = tpu.memref_squeeze %dma_start3A_314 : memref<16x1x2048xf32, #tpu.memory_space<hbm>> -> memref<16x2048xf32, #tpu.memory_space<hbm>>
      %dma_start3A_316 = arith.constant 0 : i32
      %dma_start3A_317 = arith.constant 0 : i32
      %dma_start3A_318 = tpu.memref_slice %arg7[%dma_start3A_301, %dma_start3A_316, %dma_start3A_317] : memref<2x16x2048xf32, #tpu.memory_space<vmem>> -> memref<1x16x2048xf32, #tpu.memory_space<vmem>>
      %dma_start3A_319 = tpu.memref_squeeze %dma_start3A_318 : memref<1x16x2048xf32, #tpu.memory_space<vmem>> -> memref<16x2048xf32, #tpu.memory_space<vmem>>
      tpu.enqueue_dma source(%dma_start3A_319 : memref<16x2048xf32, #tpu.memory_space<vmem>>) target(%dma_start3A_315 : memref<16x2048xf32, #tpu.memory_space<hbm>>) target_semaphore(%dma_start3A_312 : memref<!tpu.dma_semaphore, #tpu.memory_space<semaphore_mem>>)
      %mul3A_320 = arith.constant 16 : i32
      %mul3A_321 = arith.muli %add3A_238, %mul3A_320 : i32
      %add3A_322 = arith.addi %mul3A_2, %mul3A_321 : i32
      %dma_start3A_323 = arith.constant 1 : i32
      %dma_start3A_324 = arith.constant 3 : i32
      %dma_start3A_325 = arith.constant 1 : i32
      %dma_start3A_326 = arith.constant 0 : i32
      %dma_start3A_327 = arith.constant 0 : i32
      %dma_start3A_328 = tpu.memref_slice %arg7[%dma_start3A_323, %dma_start3A_326, %dma_start3A_327] : memref<2x16x2048xf32, #tpu.memory_space<vmem>> -> memref<1x16x2048xf32, #tpu.memory_space<vmem>>
      %dma_start3A_329 = tpu.memref_squeeze %dma_start3A_328 : memref<1x16x2048xf32, #tpu.memory_space<vmem>> -> memref<16x2048xf32, #tpu.memory_space<vmem>>
      %dma_start3A_330 = arith.constant 0 : i32
      %dma_start3A_331 = tpu.memref_slice %arg4[%add3A_322, %dma_start3A_324, %dma_start3A_330] : memref<4096x4x2048xf32, #tpu.memory_space<hbm>> -> memref<16x1x2048xf32, #tpu.memory_space<hbm>>
      %dma_start3A_332 = tpu.memref_squeeze %dma_start3A_331 : memref<16x1x2048xf32, #tpu.memory_space<hbm>> -> memref<16x2048xf32, #tpu.memory_space<hbm>>
      %dma_start3A_333 = tpu.memref_slice %arg9[%dma_start3A_325] : memref<2x!tpu.dma_semaphore, #tpu.memory_space<semaphore_mem>> -> memref<1x!tpu.dma_semaphore, #tpu.memory_space<semaphore_mem>>
      %dma_start3A_334 = tpu.memref_squeeze %dma_start3A_333 : memref<1x!tpu.dma_semaphore, #tpu.memory_space<semaphore_mem>> -> memref<!tpu.dma_semaphore, #tpu.memory_space<semaphore_mem>>
      %dma_start3A_335 = arith.constant 0 : i32
      %dma_start3A_336 = tpu.memref_slice %arg4[%add3A_322, %dma_start3A_324, %dma_start3A_335] : memref<4096x4x2048xf32, #tpu.memory_space<hbm>> -> memref<16x1x2048xf32, #tpu.memory_space<hbm>>
      %dma_start3A_337 = tpu.memref_squeeze %dma_start3A_336 : memref<16x1x2048xf32, #tpu.memory_space<hbm>> -> memref<16x2048xf32, #tpu.memory_space<hbm>>
      %dma_start3A_338 = arith.constant 0 : i32
      %dma_start3A_339 = arith.constant 0 : i32
      %dma_start3A_340 = tpu.memref_slice %arg7[%dma_start3A_323, %dma_start3A_338, %dma_start3A_339] : memref<2x16x2048xf32, #tpu.memory_space<vmem>> -> memref<1x16x2048xf32, #tpu.memory_space<vmem>>
      %dma_start3A_341 = tpu.memref_squeeze %dma_start3A_340 : memref<1x16x2048xf32, #tpu.memory_space<vmem>> -> memref<16x2048xf32, #tpu.memory_space<vmem>>
      tpu.enqueue_dma source(%dma_start3A_341 : memref<16x2048xf32, #tpu.memory_space<vmem>>) target(%dma_start3A_337 : memref<16x2048xf32, #tpu.memory_space<hbm>>) target_semaphore(%dma_start3A_334 : memref<!tpu.dma_semaphore, #tpu.memory_space<semaphore_mem>>)
      %ge3A_342 = arith.constant 1 : i32
      %ge3A_343 = arith.cmpi sge, %add3A_238, %ge3A_342 : i32
      %convert_element_type3A_344 = arith.extui %ge3A_343 : i1 to i32
      %cond3A_345 = arith.constant 0 : i32
      %cond3A_346 = arith.cmpi ne, %convert_element_type3A_344, %cond3A_345 : i32
      scf.if %cond3A_346 {
        %sub3A = arith.constant 1 : i32
        %sub3A_354 = arith.subi %add3A_238, %sub3A : i32
        %mul3A_355 = arith.constant 16 : i32
        %mul3A_356 = arith.muli %sub3A_354, %mul3A_355 : i32
        %add3A_357 = arith.addi %mul3A_2, %mul3A_356 : i32
        %dma_wait3A_358 = arith.constant 0 : i32
        %dma_wait3A_359 = arith.constant 0 : i32
        %dma_wait3A_360 = arith.constant 0 : i32
        %dma_wait3A_361 = arith.constant 0 : i32
        %dma_wait3A_362 = arith.constant 0 : i32
        %dma_wait3A_363 = tpu.memref_slice %arg7[%dma_wait3A_358, %dma_wait3A_361, %dma_wait3A_362] : memref<2x16x2048xf32, #tpu.memory_space<vmem>> -> memref<1x16x2048xf32, #tpu.memory_space<vmem>>
        %dma_wait3A_364 = tpu.memref_squeeze %dma_wait3A_363 : memref<1x16x2048xf32, #tpu.memory_space<vmem>> -> memref<16x2048xf32, #tpu.memory_space<vmem>>
        %dma_wait3A_365 = arith.constant 0 : i32
        %dma_wait3A_366 = tpu.memref_slice %arg4[%add3A_357, %dma_wait3A_359, %dma_wait3A_365] : memref<4096x4x2048xf32, #tpu.memory_space<hbm>> -> memref<16x1x2048xf32, #tpu.memory_space<hbm>>
        %dma_wait3A_367 = tpu.memref_squeeze %dma_wait3A_366 : memref<16x1x2048xf32, #tpu.memory_space<hbm>> -> memref<16x2048xf32, #tpu.memory_space<hbm>>
        %dma_wait3A_368 = tpu.memref_slice %arg9[%dma_wait3A_360] : memref<2x!tpu.dma_semaphore, #tpu.memory_space<semaphore_mem>> -> memref<1x!tpu.dma_semaphore, #tpu.memory_space<semaphore_mem>>
        %dma_wait3A_369 = tpu.memref_squeeze %dma_wait3A_368 : memref<1x!tpu.dma_semaphore, #tpu.memory_space<semaphore_mem>> -> memref<!tpu.dma_semaphore, #tpu.memory_space<semaphore_mem>>
        %dma_wait3A_370 = arith.constant 0 : i32
        %dma_wait3A_371 = tpu.memref_slice %arg4[%add3A_357, %dma_wait3A_359, %dma_wait3A_370] : memref<4096x4x2048xf32, #tpu.memory_space<hbm>> -> memref<16x1x2048xf32, #tpu.memory_space<hbm>>
        %dma_wait3A_372 = tpu.memref_squeeze %dma_wait3A_371 : memref<16x1x2048xf32, #tpu.memory_space<hbm>> -> memref<16x2048xf32, #tpu.memory_space<hbm>>
        %dma_wait3A_373 = arith.constant 0 : i32
        %dma_wait3A_374 = arith.constant 0 : i32
        %dma_wait3A_375 = tpu.memref_slice %arg7[%dma_wait3A_358, %dma_wait3A_373, %dma_wait3A_374] : memref<2x16x2048xf32, #tpu.memory_space<vmem>> -> memref<1x16x2048xf32, #tpu.memory_space<vmem>>
        %dma_wait3A_376 = tpu.memref_squeeze %dma_wait3A_375 : memref<1x16x2048xf32, #tpu.memory_space<vmem>> -> memref<16x2048xf32, #tpu.memory_space<vmem>>
        tpu.wait_dma2 semaphore(%dma_wait3A_369 : memref<!tpu.dma_semaphore, #tpu.memory_space<semaphore_mem>>) src(%dma_wait3A_376 : memref<16x2048xf32, #tpu.memory_space<vmem>>) dst(%dma_wait3A_372 : memref<16x2048xf32, #tpu.memory_space<hbm>>)
        %sub3A_377 = arith.constant 1 : i32
        %sub3A_378 = arith.subi %add3A_238, %sub3A_377 : i32
        %mul3A_379 = arith.constant 16 : i32
        %mul3A_380 = arith.muli %sub3A_378, %mul3A_379 : i32
        %add3A_381 = arith.addi %mul3A_2, %mul3A_380 : i32
        %dma_wait3A_382 = arith.constant 0 : i32
        %dma_wait3A_383 = arith.constant 1 : i32
        %dma_wait3A_384 = arith.constant 0 : i32
        %dma_wait3A_385 = arith.constant 0 : i32
        %dma_wait3A_386 = arith.constant 0 : i32
        %dma_wait3A_387 = tpu.memref_slice %arg7[%dma_wait3A_382, %dma_wait3A_385, %dma_wait3A_386] : memref<2x16x2048xf32, #tpu.memory_space<vmem>> -> memref<1x16x2048xf32, #tpu.memory_space<vmem>>
        %dma_wait3A_388 = tpu.memref_squeeze %dma_wait3A_387 : memref<1x16x2048xf32, #tpu.memory_space<vmem>> -> memref<16x2048xf32, #tpu.memory_space<vmem>>
        %dma_wait3A_389 = arith.constant 0 : i32
        %dma_wait3A_390 = tpu.memref_slice %arg4[%add3A_381, %dma_wait3A_383, %dma_wait3A_389] : memref<4096x4x2048xf32, #tpu.memory_space<hbm>> -> memref<16x1x2048xf32, #tpu.memory_space<hbm>>
        %dma_wait3A_391 = tpu.memref_squeeze %dma_wait3A_390 : memref<16x1x2048xf32, #tpu.memory_space<hbm>> -> memref<16x2048xf32, #tpu.memory_space<hbm>>
        %dma_wait3A_392 = tpu.memref_slice %arg9[%dma_wait3A_384] : memref<2x!tpu.dma_semaphore, #tpu.memory_space<semaphore_mem>> -> memref<1x!tpu.dma_semaphore, #tpu.memory_space<semaphore_mem>>
        %dma_wait3A_393 = tpu.memref_squeeze %dma_wait3A_392 : memref<1x!tpu.dma_semaphore, #tpu.memory_space<semaphore_mem>> -> memref<!tpu.dma_semaphore, #tpu.memory_space<semaphore_mem>>
        %dma_wait3A_394 = arith.constant 0 : i32
        %dma_wait3A_395 = tpu.memref_slice %arg4[%add3A_381, %dma_wait3A_383, %dma_wait3A_394] : memref<4096x4x2048xf32, #tpu.memory_space<hbm>> -> memref<16x1x2048xf32, #tpu.memory_space<hbm>>
        %dma_wait3A_396 = tpu.memref_squeeze %dma_wait3A_395 : memref<16x1x2048xf32, #tpu.memory_space<hbm>> -> memref<16x2048xf32, #tpu.memory_space<hbm>>
        %dma_wait3A_397 = arith.constant 0 : i32
        %dma_wait3A_398 = arith.constant 0 : i32
        %dma_wait3A_399 = tpu.memref_slice %arg7[%dma_wait3A_382, %dma_wait3A_397, %dma_wait3A_398] : memref<2x16x2048xf32, #tpu.memory_space<vmem>> -> memref<1x16x2048xf32, #tpu.memory_space<vmem>>
        %dma_wait3A_400 = tpu.memref_squeeze %dma_wait3A_399 : memref<1x16x2048xf32, #tpu.memory_space<vmem>> -> memref<16x2048xf32, #tpu.memory_space<vmem>>
        tpu.wait_dma2 semaphore(%dma_wait3A_393 : memref<!tpu.dma_semaphore, #tpu.memory_space<semaphore_mem>>) src(%dma_wait3A_400 : memref<16x2048xf32, #tpu.memory_space<vmem>>) dst(%dma_wait3A_396 : memref<16x2048xf32, #tpu.memory_space<hbm>>)
        %sub3A_401 = arith.constant 1 : i32
        %sub3A_402 = arith.subi %add3A_238, %sub3A_401 : i32
        %mul3A_403 = arith.constant 16 : i32
        %mul3A_404 = arith.muli %sub3A_402, %mul3A_403 : i32
        %add3A_405 = arith.addi %mul3A_2, %mul3A_404 : i32
        %dma_wait3A_406 = arith.constant 0 : i32
        %dma_wait3A_407 = arith.constant 2 : i32
        %dma_wait3A_408 = arith.constant 0 : i32
        %dma_wait3A_409 = arith.constant 0 : i32
        %dma_wait3A_410 = arith.constant 0 : i32
        %dma_wait3A_411 = tpu.memref_slice %arg7[%dma_wait3A_406, %dma_wait3A_409, %dma_wait3A_410] : memref<2x16x2048xf32, #tpu.memory_space<vmem>> -> memref<1x16x2048xf32, #tpu.memory_space<vmem>>
        %dma_wait3A_412 = tpu.memref_squeeze %dma_wait3A_411 : memref<1x16x2048xf32, #tpu.memory_space<vmem>> -> memref<16x2048xf32, #tpu.memory_space<vmem>>
        %dma_wait3A_413 = arith.constant 0 : i32
        %dma_wait3A_414 = tpu.memref_slice %arg4[%add3A_405, %dma_wait3A_407, %dma_wait3A_413] : memref<4096x4x2048xf32, #tpu.memory_space<hbm>> -> memref<16x1x2048xf32, #tpu.memory_space<hbm>>
        %dma_wait3A_415 = tpu.memref_squeeze %dma_wait3A_414 : memref<16x1x2048xf32, #tpu.memory_space<hbm>> -> memref<16x2048xf32, #tpu.memory_space<hbm>>
        %dma_wait3A_416 = tpu.memref_slice %arg9[%dma_wait3A_408] : memref<2x!tpu.dma_semaphore, #tpu.memory_space<semaphore_mem>> -> memref<1x!tpu.dma_semaphore, #tpu.memory_space<semaphore_mem>>
        %dma_wait3A_417 = tpu.memref_squeeze %dma_wait3A_416 : memref<1x!tpu.dma_semaphore, #tpu.memory_space<semaphore_mem>> -> memref<!tpu.dma_semaphore, #tpu.memory_space<semaphore_mem>>
        %dma_wait3A_418 = arith.constant 0 : i32
        %dma_wait3A_419 = tpu.memref_slice %arg4[%add3A_405, %dma_wait3A_407, %dma_wait3A_418] : memref<4096x4x2048xf32, #tpu.memory_space<hbm>> -> memref<16x1x2048xf32, #tpu.memory_space<hbm>>
        %dma_wait3A_420 = tpu.memref_squeeze %dma_wait3A_419 : memref<16x1x2048xf32, #tpu.memory_space<hbm>> -> memref<16x2048xf32, #tpu.memory_space<hbm>>
        %dma_wait3A_421 = arith.constant 0 : i32
        %dma_wait3A_422 = arith.constant 0 : i32
        %dma_wait3A_423 = tpu.memref_slice %arg7[%dma_wait3A_406, %dma_wait3A_421, %dma_wait3A_422] : memref<2x16x2048xf32, #tpu.memory_space<vmem>> -> memref<1x16x2048xf32, #tpu.memory_space<vmem>>
        %dma_wait3A_424 = tpu.memref_squeeze %dma_wait3A_423 : memref<1x16x2048xf32, #tpu.memory_space<vmem>> -> memref<16x2048xf32, #tpu.memory_space<vmem>>
        tpu.wait_dma2 semaphore(%dma_wait3A_417 : memref<!tpu.dma_semaphore, #tpu.memory_space<semaphore_mem>>) src(%dma_wait3A_424 : memref<16x2048xf32, #tpu.memory_space<vmem>>) dst(%dma_wait3A_420 : memref<16x2048xf32, #tpu.memory_space<hbm>>)
        %sub3A_425 = arith.constant 1 : i32
        %sub3A_426 = arith.subi %add3A_238, %sub3A_425 : i32
        %mul3A_427 = arith.constant 16 : i32
        %mul3A_428 = arith.muli %sub3A_426, %mul3A_427 : i32
        %add3A_429 = arith.addi %mul3A_2, %mul3A_428 : i32
        %dma_wait3A_430 = arith.constant 0 : i32
        %dma_wait3A_431 = arith.constant 3 : i32
        %dma_wait3A_432 = arith.constant 0 : i32
        %dma_wait3A_433 = arith.constant 0 : i32
        %dma_wait3A_434 = arith.constant 0 : i32
        %dma_wait3A_435 = tpu.memref_slice %arg7[%dma_wait3A_430, %dma_wait3A_433, %dma_wait3A_434] : memref<2x16x2048xf32, #tpu.memory_space<vmem>> -> memref<1x16x2048xf32, #tpu.memory_space<vmem>>
        %dma_wait3A_436 = tpu.memref_squeeze %dma_wait3A_435 : memref<1x16x2048xf32, #tpu.memory_space<vmem>> -> memref<16x2048xf32, #tpu.memory_space<vmem>>
        %dma_wait3A_437 = arith.constant 0 : i32
        %dma_wait3A_438 = tpu.memref_slice %arg4[%add3A_429, %dma_wait3A_431, %dma_wait3A_437] : memref<4096x4x2048xf32, #tpu.memory_space<hbm>> -> memref<16x1x2048xf32, #tpu.memory_space<hbm>>
        %dma_wait3A_439 = tpu.memref_squeeze %dma_wait3A_438 : memref<16x1x2048xf32, #tpu.memory_space<hbm>> -> memref<16x2048xf32, #tpu.memory_space<hbm>>
        %dma_wait3A_440 = tpu.memref_slice %arg9[%dma_wait3A_432] : memref<2x!tpu.dma_semaphore, #tpu.memory_space<semaphore_mem>> -> memref<1x!tpu.dma_semaphore, #tpu.memory_space<semaphore_mem>>
        %dma_wait3A_441 = tpu.memref_squeeze %dma_wait3A_440 : memref<1x!tpu.dma_semaphore, #tpu.memory_space<semaphore_mem>> -> memref<!tpu.dma_semaphore, #tpu.memory_space<semaphore_mem>>
        %dma_wait3A_442 = arith.constant 0 : i32
        %dma_wait3A_443 = tpu.memref_slice %arg4[%add3A_429, %dma_wait3A_431, %dma_wait3A_442] : memref<4096x4x2048xf32, #tpu.memory_space<hbm>> -> memref<16x1x2048xf32, #tpu.memory_space<hbm>>
        %dma_wait3A_444 = tpu.memref_squeeze %dma_wait3A_443 : memref<16x1x2048xf32, #tpu.memory_space<hbm>> -> memref<16x2048xf32, #tpu.memory_space<hbm>>
        %dma_wait3A_445 = arith.constant 0 : i32
        %dma_wait3A_446 = arith.constant 0 : i32
        %dma_wait3A_447 = tpu.memref_slice %arg7[%dma_wait3A_430, %dma_wait3A_445, %dma_wait3A_446] : memref<2x16x2048xf32, #tpu.memory_space<vmem>> -> memref<1x16x2048xf32, #tpu.memory_space<vmem>>
        %dma_wait3A_448 = tpu.memref_squeeze %dma_wait3A_447 : memref<1x16x2048xf32, #tpu.memory_space<vmem>> -> memref<16x2048xf32, #tpu.memory_space<vmem>>
        tpu.wait_dma2 semaphore(%dma_wait3A_441 : memref<!tpu.dma_semaphore, #tpu.memory_space<semaphore_mem>>) src(%dma_wait3A_448 : memref<16x2048xf32, #tpu.memory_space<vmem>>) dst(%dma_wait3A_444 : memref<16x2048xf32, #tpu.memory_space<hbm>>)
      } else {
      }
      %add3A_347 = arith.constant 1 : i32
      %add3A_348 = arith.addi %add3A_238, %add3A_347 : i32
      %lt3A_349 = arith.constant 8 : i32
      %lt3A_350 = arith.cmpi slt, %add3A_348, %lt3A_349 : i32
      %convert_element_type3A_351 = arith.extui %lt3A_350 : i1 to i32
      %cond3A_352 = arith.constant 0 : i32
      %cond3A_353 = arith.cmpi ne, %convert_element_type3A_351, %cond3A_352 : i32
      scf.if %cond3A_353 {
        %add3A_354 = arith.constant 1 : i32
        %add3A_355 = arith.addi %add3A_238, %add3A_354 : i32
        %mul3A_356 = arith.constant 16 : i32
        %mul3A_357 = arith.muli %add3A_355, %mul3A_356 : i32
        %add3A_358 = arith.addi %mul3A_2, %mul3A_357 : i32
        %add3A_359 = vector.broadcast %add3A_358 : i32 to vector<16xi32>
        %add3A_360 = arith.addi %get3A_4, %add3A_359 : vector<16xi32>
        %add3A_361 = arith.addi %add3A_360, %iota3A : vector<16xi32>
        %swap3A_362 = arith.constant 0 : i32
        %swap3A_363 = arith.index_cast %swap3A_362 : i32 to index
        %swap3A_364 = arith.constant 0 : index
        %swap3A_365 = tpu.vector_load %arg6[%swap3A_363, %swap3A_364] {strides = array<i32>} : memref<2x16xi32, #tpu.memory_space<vmem>>, vector<1x16xi32>,
        %swap3A_366 = vector.shape_cast %swap3A_365 : vector<1x16xi32> to vector<16xi32>
        %swap3A_367 = vector.shape_cast %add3A_361 : vector<16xi32> to vector<1x16xi32>
        tpu.vector_store %arg6[%swap3A_363, %swap3A_364], %swap3A_367 {strides = array<i32>} : memref<2x16xi32, #tpu.memory_space<vmem>>, vector<1x16xi32>,
        %dma_start3A_368 = arith.constant 0 : i32
        %dma_start3A_369 = arith.constant 0 : i32
        %dma_start3A_370 = arith.constant 0 : i32
        %dma_start3A_371 = arith.constant 0 : i32
        %dma_start3A_372 = arith.constant 0 : i32
        %dma_start3A_373 = tpu.memref_slice %arg7[%dma_start3A_369, %dma_start3A_371, %dma_start3A_372] : memref<2x16x2048xf32, #tpu.memory_space<vmem>> -> memref<1x16x2048xf32, #tpu.memory_space<vmem>>
        %dma_start3A_374 = tpu.memref_squeeze %dma_start3A_373 : memref<1x16x2048xf32, #tpu.memory_space<vmem>> -> memref<16x2048xf32, #tpu.memory_space<vmem>>
        %dma_start3A_375 = arith.constant 0 : i32
        %dma_start3A_376 = tpu.memref_slice %arg6[%dma_start3A_368, %dma_start3A_375] : memref<2x16xi32, #tpu.memory_space<vmem>> -> memref<1x16xi32, #tpu.memory_space<vmem>>
        %dma_start3A_377 = tpu.memref_squeeze %dma_start3A_376 : memref<1x16xi32, #tpu.memory_space<vmem>> -> memref<16xi32, #tpu.memory_space<vmem>>
        %dma_start3A_378 = arith.constant 0 : i32
        %dma_start3A_379 = arith.constant 0 : i32
        %dma_start3A_380 = tpu.memref_slice %arg3[%dma_start3A_378, %dma_start3A_379] : memref<8192x2048xf32, #tpu.memory_space<hbm>> -> memref<8192x2048xf32, #tpu.memory_space<hbm>>
        %dma_start3A_381 = tpu.memref_slice %arg8[%dma_start3A_370] : memref<2x!tpu.dma_semaphore, #tpu.memory_space<semaphore_mem>> -> memref<1x!tpu.dma_semaphore, #tpu.memory_space<semaphore_mem>>
        %dma_start3A_382 = tpu.memref_squeeze %dma_start3A_381 : memref<1x!tpu.dma_semaphore, #tpu.memory_space<semaphore_mem>> -> memref<!tpu.dma_semaphore, #tpu.memory_space<semaphore_mem>>
        tpu.enqueue_indirect_dma source(%dma_start3A_380 : memref<8192x2048xf32, #tpu.memory_space<hbm>>) target(%dma_start3A_374 : memref<16x2048xf32, #tpu.memory_space<vmem>>) offsets(%dma_start3A_377 : memref<16xi32, #tpu.memory_space<vmem>>) semaphore(%dma_start3A_382 : memref<!tpu.dma_semaphore, #tpu.memory_space<semaphore_mem>>)
      } else {
      }
    }
    %scan3A_32 = arith.constant 4 : i32
    %rem3A = arith.constant 7 : i32
    %rem3A_33 = arith.constant 2 : i32
    %rem3A_34 = arith.remsi %rem3A, %rem3A_33 : i32
    %add3A_35 = arith.constant 112 : i32
    %add3A_36 = arith.addi %mul3A_2, %add3A_35 : i32
    %dma_wait3A = arith.constant 0 : i32
    %dma_wait3A_37 = arith.constant 0 : i32
    %dma_wait3A_38 = arith.constant 0 : i32
    %dma_wait3A_39 = tpu.memref_slice %arg7[%rem3A_34, %dma_wait3A_37, %dma_wait3A_38] : memref<2x16x2048xf32, #tpu.memory_space<vmem>> -> memref<1x16x2048xf32, #tpu.memory_space<vmem>>
    %dma_wait3A_40 = tpu.memref_squeeze %dma_wait3A_39 : memref<1x16x2048xf32, #tpu.memory_space<vmem>> -> memref<16x2048xf32, #tpu.memory_space<vmem>>
    %dma_wait3A_41 = arith.constant 0 : i32
    %dma_wait3A_42 = tpu.memref_slice %arg4[%add3A_36, %dma_wait3A, %dma_wait3A_41] : memref<4096x4x2048xf32, #tpu.memory_space<hbm>> -> memref<16x1x2048xf32, #tpu.memory_space<hbm>>
    %dma_wait3A_43 = tpu.memref_squeeze %dma_wait3A_42 : memref<16x1x2048xf32, #tpu.memory_space<hbm>> -> memref<16x2048xf32, #tpu.memory_space<hbm>>
    %dma_wait3A_44 = tpu.memref_slice %arg9[%rem3A_34] : memref<2x!tpu.dma_semaphore, #tpu.memory_space<semaphore_mem>> -> memref<1x!tpu.dma_semaphore, #tpu.memory_space<semaphore_mem>>
    %dma_wait3A_45 = tpu.memref_squeeze %dma_wait3A_44 : memref<1x!tpu.dma_semaphore, #tpu.memory_space<semaphore_mem>> -> memref<!tpu.dma_semaphore, #tpu.memory_space<semaphore_mem>>
    %dma_wait3A_46 = arith.constant 0 : i32
    %dma_wait3A_47 = tpu.memref_slice %arg4[%add3A_36, %dma_wait3A, %dma_wait3A_46] : memref<4096x4x2048xf32, #tpu.memory_space<hbm>> -> memref<16x1x2048xf32, #tpu.memory_space<hbm>>
    %dma_wait3A_48 = tpu.memref_squeeze %dma_wait3A_47 : memref<16x1x2048xf32, #tpu.memory_space<hbm>> -> memref<16x2048xf32, #tpu.memory_space<hbm>>
    %dma_wait3A_49 = arith.constant 0 : i32
    %dma_wait3A_50 = arith.constant 0 : i32
    %dma_wait3A_51 = tpu.memref_slice %arg7[%rem3A_34, %dma_wait3A_49, %dma_wait3A_50] : memref<2x16x2048xf32, #tpu.memory_space<vmem>> -> memref<1x16x2048xf32, #tpu.memory_space<vmem>>
    %dma_wait3A_52 = tpu.memref_squeeze %dma_wait3A_51 : memref<1x16x2048xf32, #tpu.memory_space<vmem>> -> memref<16x2048xf32, #tpu.memory_space<vmem>>
    tpu.wait_dma2 semaphore(%dma_wait3A_45 : memref<!tpu.dma_semaphore, #tpu.memory_space<semaphore_mem>>) src(%dma_wait3A_52 : memref<16x2048xf32, #tpu.memory_space<vmem>>) dst(%dma_wait3A_48 : memref<16x2048xf32, #tpu.memory_space<hbm>>)
    %rem3A_53 = arith.constant 7 : i32
    %rem3A_54 = arith.constant 2 : i32
    %rem3A_55 = arith.remsi %rem3A_53, %rem3A_54 : i32
    %add3A_56 = arith.constant 112 : i32
    %add3A_57 = arith.addi %mul3A_2, %add3A_56 : i32
    %dma_wait3A_58 = arith.constant 1 : i32
    %dma_wait3A_59 = arith.constant 0 : i32
    %dma_wait3A_60 = arith.constant 0 : i32
    %dma_wait3A_61 = tpu.memref_slice %arg7[%rem3A_55, %dma_wait3A_59, %dma_wait3A_60] : memref<2x16x2048xf32, #tpu.memory_space<vmem>> -> memref<1x16x2048xf32, #tpu.memory_space<vmem>>
    %dma_wait3A_62 = tpu.memref_squeeze %dma_wait3A_61 : memref<1x16x2048xf32, #tpu.memory_space<vmem>> -> memref<16x2048xf32, #tpu.memory_space<vmem>>
    %dma_wait3A_63 = arith.constant 0 : i32
    %dma_wait3A_64 = tpu.memref_slice %arg4[%add3A_57, %dma_wait3A_58, %dma_wait3A_63] : memref<4096x4x2048xf32, #tpu.memory_space<hbm>> -> memref<16x1x2048xf32, #tpu.memory_space<hbm>>
    %dma_wait3A_65 = tpu.memref_squeeze %dma_wait3A_64 : memref<16x1x2048xf32, #tpu.memory_space<hbm>> -> memref<16x2048xf32, #tpu.memory_space<hbm>>
    %dma_wait3A_66 = tpu.memref_slice %arg9[%rem3A_55] : memref<2x!tpu.dma_semaphore, #tpu.memory_space<semaphore_mem>> -> memref<1x!tpu.dma_semaphore, #tpu.memory_space<semaphore_mem>>
    %dma_wait3A_67 = tpu.memref_squeeze %dma_wait3A_66 : memref<1x!tpu.dma_semaphore, #tpu.memory_space<semaphore_mem>> -> memref<!tpu.dma_semaphore, #tpu.memory_space<semaphore_mem>>
    %dma_wait3A_68 = arith.constant 0 : i32
    %dma_wait3A_69 = tpu.memref_slice %arg4[%add3A_57, %dma_wait3A_58, %dma_wait3A_68] : memref<4096x4x2048xf32, #tpu.memory_space<hbm>> -> memref<16x1x2048xf32, #tpu.memory_space<hbm>>
    %dma_wait3A_70 = tpu.memref_squeeze %dma_wait3A_69 : memref<16x1x2048xf32, #tpu.memory_space<hbm>> -> memref<16x2048xf32, #tpu.memory_space<hbm>>
    %dma_wait3A_71 = arith.constant 0 : i32
    %dma_wait3A_72 = arith.constant 0 : i32
    %dma_wait3A_73 = tpu.memref_slice %arg7[%rem3A_55, %dma_wait3A_71, %dma_wait3A_72] : memref<2x16x2048xf32, #tpu.memory_space<vmem>> -> memref<1x16x2048xf32, #tpu.memory_space<vmem>>
    %dma_wait3A_74 = tpu.memref_squeeze %dma_wait3A_73 : memref<1x16x2048xf32, #tpu.memory_space<vmem>> -> memref<16x2048xf32, #tpu.memory_space<vmem>>
    tpu.wait_dma2 semaphore(%dma_wait3A_67 : memref<!tpu.dma_semaphore, #tpu.memory_space<semaphore_mem>>) src(%dma_wait3A_74 : memref<16x2048xf32, #tpu.memory_space<vmem>>) dst(%dma_wait3A_70 : memref<16x2048xf32, #tpu.memory_space<hbm>>)
    %rem3A_75 = arith.constant 7 : i32
    %rem3A_76 = arith.constant 2 : i32
    %rem3A_77 = arith.remsi %rem3A_75, %rem3A_76 : i32
    %add3A_78 = arith.constant 112 : i32
    %add3A_79 = arith.addi %mul3A_2, %add3A_78 : i32
    %dma_wait3A_80 = arith.constant 2 : i32
    %dma_wait3A_81 = arith.constant 0 : i32
    %dma_wait3A_82 = arith.constant 0 : i32
    %dma_wait3A_83 = tpu.memref_slice %arg7[%rem3A_77, %dma_wait3A_81, %dma_wait3A_82] : memref<2x16x2048xf32, #tpu.memory_space<vmem>> -> memref<1x16x2048xf32, #tpu.memory_space<vmem>>
    %dma_wait3A_84 = tpu.memref_squeeze %dma_wait3A_83 : memref<1x16x2048xf32, #tpu.memory_space<vmem>> -> memref<16x2048xf32, #tpu.memory_space<vmem>>
    %dma_wait3A_85 = arith.constant 0 : i32
    %dma_wait3A_86 = tpu.memref_slice %arg4[%add3A_79, %dma_wait3A_80, %dma_wait3A_85] : memref<4096x4x2048xf32, #tpu.memory_space<hbm>> -> memref<16x1x2048xf32, #tpu.memory_space<hbm>>
    %dma_wait3A_87 = tpu.memref_squeeze %dma_wait3A_86 : memref<16x1x2048xf32, #tpu.memory_space<hbm>> -> memref<16x2048xf32, #tpu.memory_space<hbm>>
    %dma_wait3A_88 = tpu.memref_slice %arg9[%rem3A_77] : memref<2x!tpu.dma_semaphore, #tpu.memory_space<semaphore_mem>> -> memref<1x!tpu.dma_semaphore, #tpu.memory_space<semaphore_mem>>
    %dma_wait3A_89 = tpu.memref_squeeze %dma_wait3A_88 : memref<1x!tpu.dma_semaphore, #tpu.memory_space<semaphore_mem>> -> memref<!tpu.dma_semaphore, #tpu.memory_space<semaphore_mem>>
    %dma_wait3A_90 = arith.constant 0 : i32
    %dma_wait3A_91 = tpu.memref_slice %arg4[%add3A_79, %dma_wait3A_80, %dma_wait3A_90] : memref<4096x4x2048xf32, #tpu.memory_space<hbm>> -> memref<16x1x2048xf32, #tpu.memory_space<hbm>>
    %dma_wait3A_92 = tpu.memref_squeeze %dma_wait3A_91 : memref<16x1x2048xf32, #tpu.memory_space<hbm>> -> memref<16x2048xf32, #tpu.memory_space<hbm>>
    %dma_wait3A_93 = arith.constant 0 : i32
    %dma_wait3A_94 = arith.constant 0 : i32
    %dma_wait3A_95 = tpu.memref_slice %arg7[%rem3A_77, %dma_wait3A_93, %dma_wait3A_94] : memref<2x16x2048xf32, #tpu.memory_space<vmem>> -> memref<1x16x2048xf32, #tpu.memory_space<vmem>>
    %dma_wait3A_96 = tpu.memref_squeeze %dma_wait3A_95 : memref<1x16x2048xf32, #tpu.memory_space<vmem>> -> memref<16x2048xf32, #tpu.memory_space<vmem>>
    tpu.wait_dma2 semaphore(%dma_wait3A_89 : memref<!tpu.dma_semaphore, #tpu.memory_space<semaphore_mem>>) src(%dma_wait3A_96 : memref<16x2048xf32, #tpu.memory_space<vmem>>) dst(%dma_wait3A_92 : memref<16x2048xf32, #tpu.memory_space<hbm>>)
    %rem3A_97 = arith.constant 7 : i32
    %rem3A_98 = arith.constant 2 : i32
    %rem3A_99 = arith.remsi %rem3A_97, %rem3A_98 : i32
    %add3A_100 = arith.constant 112 : i32
    %add3A_101 = arith.addi %mul3A_2, %add3A_100 : i32
    %dma_wait3A_102 = arith.constant 3 : i32
    %dma_wait3A_103 = arith.constant 0 : i32
    %dma_wait3A_104 = arith.constant 0 : i32
    %dma_wait3A_105 = tpu.memref_slice %arg7[%rem3A_99, %dma_wait3A_103, %dma_wait3A_104] : memref<2x16x2048xf32, #tpu.memory_space<vmem>> -> memref<1x16x2048xf32, #tpu.memory_space<vmem>>
    %dma_wait3A_106 = tpu.memref_squeeze %dma_wait3A_105 : memref<1x16x2048xf32, #tpu.memory_space<vmem>> -> memref<16x2048xf32, #tpu.memory_space<vmem>>
    %dma_wait3A_107 = arith.constant 0 : i32
    %dma_wait3A_108 = tpu.memref_slice %arg4[%add3A_101, %dma_wait3A_102, %dma_wait3A_107] : memref<4096x4x2048xf32, #tpu.memory_space<hbm>> -> memref<16x1x2048xf32, #tpu.memory_space<hbm>>
    %dma_wait3A_109 = tpu.memref_squeeze %dma_wait3A_108 : memref<16x1x2048xf32, #tpu.memory_space<hbm>> -> memref<16x2048xf32, #tpu.memory_space<hbm>>
    %dma_wait3A_110 = tpu.memref_slice %arg9[%rem3A_99] : memref<2x!tpu.dma_semaphore, #tpu.memory_space<semaphore_mem>> -> memref<1x!tpu.dma_semaphore, #tpu.memory_space<semaphore_mem>>
    %dma_wait3A_111 = tpu.memref_squeeze %dma_wait3A_110 : memref<1x!tpu.dma_semaphore, #tpu.memory_space<semaphore_mem>> -> memref<!tpu.dma_semaphore, #tpu.memory_space<semaphore_mem>>
    %dma_wait3A_112 = arith.constant 0 : i32
    %dma_wait3A_113 = tpu.memref_slice %arg4[%add3A_101, %dma_wait3A_102, %dma_wait3A_112] : memref<4096x4x2048xf32, #tpu.memory_space<hbm>> -> memref<16x1x2048xf32, #tpu.memory_space<hbm>>
    %dma_wait3A_114 = tpu.memref_squeeze %dma_wait3A_113 : memref<16x1x2048xf32, #tpu.memory_space<hbm>> -> memref<16x2048xf32, #tpu.memory_space<hbm>>
    %dma_wait3A_115 = arith.constant 0 : i32
    %dma_wait3A_116 = arith.constant 0 : i32
    %dma_wait3A_117 = tpu.memref_slice %arg7[%rem3A_99, %dma_wait3A_115, %dma_wait3A_116] : memref<2x16x2048xf32, #tpu.memory_space<vmem>> -> memref<1x16x2048xf32, #tpu.memory_space<vmem>>
    %dma_wait3A_118 = tpu.memref_squeeze %dma_wait3A_117 : memref<1x16x2048xf32, #tpu.memory_space<vmem>> -> memref<16x2048xf32, #tpu.memory_space<vmem>>
    tpu.wait_dma2 semaphore(%dma_wait3A_111 : memref<!tpu.dma_semaphore, #tpu.memory_space<semaphore_mem>>) src(%dma_wait3A_118 : memref<16x2048xf32, #tpu.memory_space<vmem>>) dst(%dma_wait3A_114 : memref<16x2048xf32, #tpu.memory_space<hbm>>)
    return
  }
}

</mosaic_0001>

<sc_bundles>
// kernel: kernel.3.cloned.1.call-start
scs
__scs_entry_jumppad:
0x0: {  	(pc) =	sbr.rel $0x88, $3  }
0x1: {  	(tag) =	ssettag $0x0;
	lr =	simm.s32 $0x1  }
0x2: {  	[smem:$0x3F9F] =	sst lr;
	_ =	strace $0xD0000000  }
0x3: {  	_ = 	snop  }
0x4: {  	_ = 	snop  }
0x5: {  	_ = 	snop  }
0x6: {  	_ = 	snop  }
0x7: {  	_ = 	snop  }
__scs_overlays_trampoline_lowered:
0x8: {  	[smem:$0x3FAE] =	sst s0  }
0x9: {  	[smem:$0x3FAF] =	sst s1  }
0xa: {  	[smem:$0x3FB0] =	sst s2  }
0xb: {  	[smem:$0x3FB1] =	sst s3  }
0xc: {  	[smem:$0x3FB2] =	sst s4  }
0xd: {  	[smem:$0x3FB3] =	sst s5  }
0xe: {  	[smem:$0x3FB4] =	sst s6  }
0xf: {  	[smem:$0x3FB5] =	sst s7  }
0x10: {  	[smem:$0x3FB6] =	sst s8  }
0x11: {  	[smem:$0x3FB7] =	sst s9;
	s0 =	simm.s32 @!p0 $0x0  }
0x12: {  	s1 =	sld [smem:$0x3F9D];
	s0 =	simm.s32 @p0 $0x1  }
0x13: {  	[smem:$0x3FB8] =	sst s0;
	s0 =	simm.s32 @!p1 $0x0  }
0x14: {  	s2 =	sld [smem:$0x3F9C];
	s0 =	simm.s32 @p1 $0x1  }
0x15: {  	[smem:$0x3FB9] =	sst s0;
	s0 =	simm.s32 @!p2 $0x0  }
0x16: {  	s3 =	sld [smem:$0x3FDB];
	s0 =	simm.s32 @p2 $0x1  }
0x17: {  	s4 =	simm.s32 $0x1BF5;
	[smem:$0x3FBB] =	sst s0  }
0x18: {  	s0 =	sld [smem:$0x3F9E];
	_ =	swait.ge [sflag:s4], $0x0  }
0x19: {  	s7 =	sld [smem:$0x3F9F]  }
0x1a: {  	s8 =	sadd.s32 $0xFFFFE003, lr  }
0x1b: {  	s9 =	sadd.s32 $0xFFFFFEF7, lr;
	s5 =	simm.s32 $0xFFFFFFFF;
	p2 =	slt.u32 s8, $0xFFFFF086  }
0x1c: {  	p1 =	slt.u32 s9, $0xF7A;
	s5 =	simm.s32 @!p2 $0x0  }
0x1d: {  	s5 =	simm.s32 @p1 $0x1;
	p0 =	seq.s32 s7, s2  }
0x1e: {  	s7 =	smul.u32 @!p0 $0xF7A, s2;
	p2 =	seq.s32 @!p0 s5, $0x0  }
0x1f: {  	s9 =	smul.u32 $0xF7A, s1;
	s8 =	simm.s32 @!p0 $0x1BF5;
	p2 =	por !p2, p0  }
0x20: {  	[sflag:s8] =	ssyncset.s32 @!p0 $0xFFFFF086;
	s6 =	sadd.s32 @!p0 s3, s7;
	s7 =	simm.s32 @!p0 $0x108  }
0x21: {  	s3 =	sadd.s32 s3, s9;
	s6 =	sadd.s32 @!p0 $0x88, s6;
	s7 =	simm.s32 @p2 $0x1082  }
0x22: {  	[simem:s7], [sflag:s8] =	dma.local @!p0 [hbm:s6], $0xF7A  }
0x23: {  	s9 =	sor.u32 $0xD0000000, s2;
	s6 =	simm.s32 $0x108;
	_ =	swait.ge @!p0 [sflag:s8], $0x0  }
0x24: {  	s3 =	sadd.s32 $0x88, s3;
	s6 =	simm.s32 @!p1 $0x1082;
	[sflag:s4] =	ssyncset.s32 $0xFFFFF086  }
0x25: {  	[simem:s6], [sflag:s4] =	dma.local [hbm:s3], $0xF7A  }
0x26: {  	[smem:$0x3F9F] =	sst s1;
	(tag) =	ssettag s2;
	_ =	strace s9  }
0x27: {  	s1 =	sld [smem:$0x3FAF]  }
0x28: {  	s2 =	sld [smem:$0x3FB0]  }
0x29: {  	s4 =	sld [smem:$0x3FB2]  }
0x2a: {  	p0 =	seq.s32 s5, $0x0;
	s5 =	sld [smem:$0x3FB3]  }
0x2b: {  	s6 =	sld [smem:$0x3FB4]  }
0x2c: {  	s7 =	sld [smem:$0x3FB5]  }
0x2d: {  	s3 =	simm.s32 $0x108;
	s8 =	sld [smem:$0x3FB6]  }
0x2e: {  	s3 =	simm.s32 @!p0 $0x1082;
	s9 =	sld [smem:$0x3FB7]  }
0x2f: {  	lr =	sadd.s32 s0, s3;
	s0 =	sld [smem:$0x3FAE]  }
0x30: {  	s3 =	sld [smem:$0x3FB1]  }
0x31: {  	[smem:$0x3FBA] =	sst s10  }
0x32: {  	s10 =	sld [smem:$0x3FB8];
	_ =	sdelay $0x3  }
0x33: {  	p0 =	seq.s32 s10, $0x1;
	s10 =	sld [smem:$0x3FBA];
	_ =	sdelay $0x3  }
0x34: {  	[smem:$0x3FBA] =	sst s10  }
0x35: {  	s10 =	sld [smem:$0x3FB9];
	_ =	sdelay $0x3  }
0x36: {  	p1 =	seq.s32 s10, $0x1;
	s10 =	sld [smem:$0x3FBA];
	_ =	sdelay $0x3  }
0x37: {  	[smem:$0x3FBA] =	sst s10  }
0x38: {  	s10 =	sld [smem:$0x3FBB]  }
0x39: {  	_ = 	snop;
	(pc) =	sbr.ind lr, $3  }
0x3a: {  	_ = 	snop  }
0x3b: {  	_ = 	snop  }
0x3c: {  	p2 =	seq.s32 s10, $0x1;
	s10 =	sld [smem:$0x3FBA]  }
0x3d: {  	_ =	shalt  }
0x3e: {  	_ =	shalt  }
0x3f: {  	_ =	shalt  }
0x40: {  	_ =	shalt  }
0x41: {  	_ =	shalt  }
0x42: {  	_ =	shalt  }
0x43: {  	_ =	shalt  }
0x44: {  	_ =	shalt  }
0x45: {  	_ =	shalt  }
0x46: {  	_ =	shalt  }
0x47: {  	_ =	shalt  }
0x48: {  	_ =	shalt  }
0x49: {  	_ =	shalt  }
0x4a: {  	_ =	shalt  }
0x4b: {  	_ =	shalt  }
0x4c: {  	_ =	shalt  }
0x4d: {  	_ =	shalt  }
0x4e: {  	_ =	shalt  }
0x4f: {  	_ =	shalt  }
0x50: {  	_ =	shalt  }
0x51: {  	_ =	shalt  }
0x52: {  	_ =	shalt  }
0x53: {  	_ =	shalt  }
0x54: {  	_ =	shalt  }
0x55: {  	_ =	shalt  }
0x56: {  	_ =	shalt  }
0x57: {  	_ =	shalt  }
0x58: {  	_ =	shalt  }
0x59: {  	_ =	shalt  }
0x5a: {  	_ =	shalt  }
0x5b: {  	_ =	shalt  }
0x5c: {  	_ =	shalt  }
0x5d: {  	_ =	shalt  }
0x5e: {  	_ =	shalt  }
0x5f: {  	_ =	shalt  }
0x60: {  	_ =	shalt  }
0x61: {  	_ =	shalt  }
0x62: {  	_ =	shalt  }
0x63: {  	_ =	shalt  }
0x64: {  	_ =	shalt  }
0x65: {  	_ =	shalt  }
0x66: {  	_ =	shalt  }
0x67: {  	_ =	shalt  }
0x68: {  	_ =	shalt  }
0x69: {  	_ =	shalt  }
0x6a: {  	_ =	shalt  }
0x6b: {  	_ =	shalt  }
0x6c: {  	_ =	shalt  }
0x6d: {  	_ =	shalt  }
0x6e: {  	_ =	shalt  }
0x6f: {  	_ =	shalt  }
0x70: {  	_ =	shalt  }
0x71: {  	_ =	shalt  }
0x72: {  	_ =	shalt  }
0x73: {  	_ =	shalt  }
0x74: {  	_ =	shalt  }
0x75: {  	_ =	shalt  }
0x76: {  	_ =	shalt  }
0x77: {  	_ =	shalt  }
0x78: {  	_ =	shalt  }
0x79: {  	_ =	shalt  }
0x7a: {  	_ =	shalt  }
0x7b: {  	_ =	shalt  }
0x7c: {  	_ =	shalt  }
0x7d: {  	_ =	shalt  }
0x7e: {  	_ =	shalt  }
0x7f: {  	_ =	shalt  }
0x80: {  	_ =	shalt  }
0x81: {  	_ =	shalt  }
0x82: {  	_ =	shalt  }
0x83: {  	_ =	shalt  }
0x84: {  	_ =	shalt  }
0x85: {  	_ =	shalt  }
0x86: {  	_ =	shalt  }
0x87: {  	_ =	shalt  }
.Lfunc_end0:
.L_simem_size_0:
called_computation_lowered:
.L_overlay_start_0:
0x88: {  	s2 =	sld [smem:$0x3FD9]  }
0x89: {  	s3 =	sld [smem:$0x3FFE];
	_ =	sdelay $0x1  }
0x8a: {  	s1 =	srdreg.scid  }
0x8b: {  	s0 =	sand.u32 $0x1, s1  }
0x8c: {  	s17 =	sshll.u32 s0, $0xA;
	s2 =	sadd.s32 s3, s2  }
0x8d: {  	s2 =	sadd.s32 s2, s17  }
0x8e: {  	[smem:$0x3FC6] =	sst s2  }
0x8f: {  	_ = 	snop  }
0x90: {  	s2 =	sld [smem:$0x3FC9]  }
0x91: {  	s18 =	sld [smem:$0x3FD0];
	(tm) =	ssettm $0x1  }
0x92: {  	s4 =	sld [smem:$0x3FFB];
	_ =	sdelay $0x3  }
0x93: {  	_ =	strace s4  }
0x94: {  	s4 =	sld [smem:$0x3FFC];
	_ =	sdelay $0x3  }
0x95: {  	_ =	strace s4  }
0x96: {  	s4 =	sld [smem:$0x3FFD];
	_ =	sdelay $0x3  }
0x97: {  	_ =	strace s4  }
0x98: {  	_ =	strace $0x8FFFFFFF  }
0x99: {  	s19 =	sld [smem:$0x3FDB];
	_ =	sdelay $0x1  }
0x9a: {  	s5 =	simm.s32 $_scs_section_size  }
0x9b: {  	s6 =	simm.s32 $_size__tile_overlayer_lowered;
	s7 =	simm.s32 $_tile_overlayer_lowered  }
0x9c: {  	s22 =	simm.s32 $0x1BFF;
	s21 =	sshll.u32 s7, $0x1;
	s4 =	sadd.s32 s5, s19  }
0x9d: {  	s8 =	simm.s32 $0x0;
	s20 =	sshll.u32 s6, $0x1;
	s6 =	sadd.s32 s21, s4  }
0x9e: {  	[timem:s8], [sflag:s22] =	dma.local [hbm:s6], s20  }
0x9f: {  	_ =	swait.ge [sflag:s22], s20  }
0xa0: {  	s5 =	ssub.s32 $0x0, s20;
	[sflag:s22] =	ssyncset.done $0x0  }
0xa1: {  	[sflag:s22] =	ssyncadd.s32 s5;
	_ =	sdelay $0x1  }
0xa2: {  	s23 =	simm.s32 $0x1B8B  }
0xa3: {  	_ =	swait.ge [sflag:s23], $0x1  }
0xa4: {  	[sflag:s23] =	ssyncset.done $0x0  }
0xa5: {  	s25 =	simm.s32 $0x1B8E;
	s24 =	sld [smem:$0x3FFE];
	[sflag:s23] =	ssyncadd.s32 $0xFFFFFFFF  }
0xa6: {  	s26 =	simm.s32 $execute0_lowered;
	[smem:$0x3FD2] =	sst s25  }
0xa7: {  	s6 =	sshll.u32 s26, $0x1;
	_ =	strace $0x80000046;
	[dreg:$0x1] =	wrdreg $0xFFFFFFFF  }
0xa8: {  	s28 =	simm.s32 $_size_execute0_lowered;
	s4 =	sadd.s32 s4, s6;
	[dreg:$0x0] =	wrdreg $0x0  }
0xa9: {  	s6 =	sshll.u32 s28, $0x1;
	[dreg:$0x2] =	wrdreg s4  }
0xaa: {  	[dreg:$0x3] =	wrdreg s6  }
0xab: {  	[dreg:$0x4] =	wrdreg $0xC0  }
0xac: {  	_ =	task [dreg:s8], $0x5FFFF  }
0xad: {  	[dreg:$0x1] =	wrdreg $0xFFFFFFFF  }
0xae: {  	[dreg:$0x0] =	wrdreg $0x60  }
0xaf: {  	[dreg:$0x2] =	wrdreg s24  }
0xb0: {  	[dreg:$0x3] =	wrdreg s2  }
0xb1: {  	[dreg:$0x4] =	wrdreg s18  }
0xb2: {  	[dreg:$0x5] =	wrdreg $0x9  }
0xb3: {  	_ =	task.clear_ibuf [dreg:s8], $0x6FFFF;
	_ =	strace $0x90000046  }
0xb4: {  	s29 =	simm.s32 $0x9;
	_ =	strace $0x80000048  }
0xb5: {  	_ =	swait.ge [sflag:s29], $0x1  }
0xb6: {  	[sflag:s29] =	ssyncadd.s32 $0xFFFFFFFF  }
0xb7: {  	_ =	strace $0x90000048  }
0xb8: {  	_ =	sfence  }
0xb9: {  	s30 =	sld [smem:$0x0];
	_ =	sdelay $0x2  }
0xba: {  	s31 =	sshll.u32 s1, $0xD;
	s1 =	sshrl.u32 s1, $0x2  }
0xbb: {  	s3 =	sand.u32 $0x4000, s31;
	s1 =	sadd.s32 s1, s30  }
0xbc: {  	s0 =	sor.u32 s3, s0;
	s1 =	sshll.u32 s1, $0x11  }
0xbd: {  	s0 =	sor.u32 s1, s0  }
0xbe: {  	s0 =	sadd.s32 $0x8F2B, s0  }
0xbf: {  	[sflag:s0] =	ssyncadd.remote.s32 $0x1  }
0xc0: {  	_ =	sfence.sel $0xFFFF  }
0xc1: {  	[dreg:$0x0] =	wrdreg $0xFFFFFFFF;
	(pc) =	sbr.abs _section_cstart, $3  }
0xc2: {  	[dreg:$0x1] =	wrdreg $0xFFFFFFFF  }
0xc3: {  	_ =	task.clear_ibuf [dreg:s8], $0x2FFFF;
	_ =	strace $0x9FFFFFFF  }
0xc4: {  	(tm) =	ssettm $0x7FFFFFFF  }
0xc5: {  	_ =	shalt  }
tec
execute0_lowered:
.L_overlay_start_1:
0x0: {  	(tag) =	ssettag $0x1  }
0x1: {  	s0 =	rddreg [dreg:$0x0]  }
0x2: {  	s1 =	rddreg [dreg:$0x1]  }
0x3: {  	s2 =	rddreg [dreg:$0x2];
	s3 =	simm.s32 $0x0;
	s4 =	srdreg.scid  }
0x4: {  	s6 =	stileid.u32;
	s22 =	simm.s32 $0x1;
	s23 =	simm.s32 $0x80  }
0x5: {  	s24 =	simm.s32 $0x2000;
	s28 =	simm.s32 $0xF180;
	s29 =	simm.s32 $0xF980  }
0x6: {  	s30 =	simm.s32 $0x2;
	s31 =	simm.s32 $0x3;
	[smem:$0x7FF] =	sst s3  }
0x7: {  	s4 =	sand.u32 $0x1, s4;
	s0 =	sadd.s32 $0x400, s0;
	s26 =	sshll.u32 s6, $0x8  }
0x8: {  	s7 =	sadd.s32 $0x100, s1;
	s8 =	sadd.s32 $0x200, s1;
	s9 =	sadd.s32 $0x300, s1  }
0x9: {  	s10 =	sadd.s32 $0x400, s1;
	s11 =	sadd.s32 $0x500, s1;
	s12 =	sadd.s32 $0x600, s1  }
0xa: {  	s13 =	sadd.s32 $0x700, s1;
	s15 =	sadd.s32 $0x10, s2;
	s16 =	sadd.s32 $0x20, s2  }
.Ltmp0:
0xb: {  	s17 =	sadd.s32 $0x30, s2;
	s5 =	ssub.s32 $0x2, s4;
	(pc) =	sbr.rel .LBB2_1-.Ltmp0, $4  }
0xc: {  	_ =	strace $0x80000047;
	s4 =	sshll.u32 s4, $0x7;
	s25 =	sshrl.u32 s5, $0x1  }
0xd: {  	v0 =	vlaneseq.u32;
	[dreg:$0x4] =	wrdreg s0;
	s6 =	sor.u32 s4, s26;
	s0 =	ssub.s32 s5, s25  }
0xe: {  	vm0 =	vmmov $0xffff;
	v2 =	vand.u32 $0x7, v0;
	v3 =	vshrl.u32 v0, $0x3;
	s26 =	simm.s32 $0xE980;
	s14 =	sshll.u32 s6, $0xD;
	s0 =	smax.u32 s0, $0x1  }
0xf: {  	v4 =	vor.u32 $0x8, v0;
	v3 =	vmul.u32 $0x8, v3;
	s18 =	sor.u32 $0x20, s6;
	v1 =	vor.u32 s6, v0;
	s5 =	simm.s32 $0x0;
	[dreg:$0x5] =	wrdreg s0  }
.LBB2_20:
0x10: {  	s4 =	simm.s32 $0x4  }
0x11: {  	_ =	swait.ge [sflag:s4], $0x8000  }
0x12: {  	[sflag:s4] =	ssyncset.done $0x0  }
0x13: {  	[sflag:s4] =	ssyncadd.s32 $0xFFFF8000  }
0x14: {  	_ =	swait.ge [sflag:s4], $0x8000  }
0x15: {  	[sflag:s4] =	ssyncset.done $0x0  }
0x16: {  	[sflag:s4] =	ssyncadd.s32 $0xFFFF8000  }
0x17: {  	_ =	swait.ge [sflag:s4], $0x8000  }
0x18: {  	[sflag:s4] =	ssyncset.done $0x0  }
0x19: {  	[sflag:s4] =	ssyncadd.s32 $0xFFFF8000  }
0x1a: {  	_ =	swait.ge [sflag:s4], $0x8000  }
0x1b: {  	s5 =	rddreg [dreg:$0x6]  }
0x1c: {  	s0 =	rddreg [dreg:$0x5];
	s5 =	sadd.s32 $0x1, s5  }
0x1d: {  	p0 =	sne.s32 s5, s0  }
.Ltmp1:
0x1e: {  	_ = 	snop;
	(pc) =	sbr.rel @!p0 .LBB2_21-.Ltmp1, $3  }
0x1f: {  	_ =	sdelay $0x1  }
0x20: {  	[sflag:s4] =	ssyncset.done $0x0  }
0x21: {  	[sflag:s4] =	ssyncadd.s32 $0xFFFF8000  }
.LBB2_1:
0x22: {  	[dreg:$0x6] =	wrdreg s5  }
0x23: {  	s0 =	rddreg [dreg:$0x4];
	s5 =	simm.s32 $0x5  }
0x24: {  	[tilespmem:s3], [sflag:$0x5] =	stream.linear.gather [hbm4b:s0+s3], $0x80, $0x38;
	[tilespmem:$0x10180] =	vst v63  }
0x25: {  	_ =	swait.ge [sflag:s5], $0x80  }
0x26: {  	[sflag:s5] =	ssyncset.done $0x0  }
0x27: {  	[sflag:s5] =	ssyncadd.s32 $0xFFFFFF80  }
0x28: {  	v5 =	vld [tilespmem:$0x0];
	_ =	sdelay $0x4  }
0x29: {  	v6 =	vadd.s32 v1, v5  }
0x2a: {  	v7 =	vshll.u32 v6, $0x4  }
0x2b: {  	v8 =	vand.u32 $0x7, v6;
	v7 =	vand.u32 $0xFFFFFF80, v7  }
0x2c: {  	v7 =	vor.u32 v8, v7  }
0x2d: {  	v8 =	vperm.xlane v7, v2;
	_ =	sdelay $0x1  }
0x2e: {  	v8 =	vadd.s32 v3, v8;
	_ =	sdelay $0x3  }
0x2f: {  	s19 =	simm.s32 $0x180;
	[tilespmem:$0x80] =	vst v6  }
0x30: {  	[tilespmem:s19], [sflag:$0x1] =	stream.indirect_vreg.gather [hbm4b:s1+s3], $0x80, v8, vm0, $0xb8;
	[tilespmem:$0x10180] =	vst v63  }
0x31: {  	s20 =	simm.s32 $0x980  }
0x32: {  	[tilespmem:s20], [sflag:$0x1] =	stream.indirect_vreg.gather [hbm4b:s7+s3], $0x80, v8, vm0, $0xb8;
	[tilespmem:$0x10180] =	vst v63  }
0x33: {  	s21 =	simm.s32 $0x1180  }
0x34: {  	[tilespmem:s21], [sflag:$0x1] =	stream.indirect_vreg.gather [hbm4b:s8+s3], $0x80, v8, vm0, $0xb8;
	[tilespmem:$0x10180] =	vst v63  }
0x35: {  	s25 =	simm.s32 $0x1980  }
0x36: {  	[tilespmem:s25], [sflag:$0x1] =	stream.indirect_vreg.gather [hbm4b:s9+s3], $0x80, v8, vm0, $0xb8;
	[tilespmem:$0x10180] =	vst v63  }
0x37: {  	s4 =	simm.s32 $0x2180  }
0x38: {  	[tilespmem:s4], [sflag:$0x1] =	stream.indirect_vreg.gather [hbm4b:s10+s3], $0x80, v8, vm0, $0xb8;
	[tilespmem:$0x10180] =	vst v63  }
0x39: {  	s5 =	simm.s32 $0x2980;
	v6 =	vperm.xlane v7, v4  }
0x3a: {  	[tilespmem:s5], [sflag:$0x1] =	stream.indirect_vreg.gather [hbm4b:s11+s3], $0x80, v8, vm0, $0xb8;
	[tilespmem:$0x10180] =	vst v63  }
0x3b: {  	v6 =	vadd.s32 v3, v6;
	s19 =	simm.s32 $0x3180  }
0x3c: {  	[tilespmem:s19], [sflag:$0x1] =	stream.indirect_vreg.gather [hbm4b:s12+s3], $0x80, v8, vm0, $0xb8;
	[tilespmem:$0x10180] =	vst v63  }
0x3d: {  	s20 =	simm.s32 $0x3980  }
0x3e: {  	[tilespmem:s20], [sflag:$0x1] =	stream.indirect_vreg.gather [hbm4b:s13+s3], $0x80, v8, vm0, $0xb8;
	[tilespmem:$0x10180] =	vst v63  }
0x3f: {  	s21 =	simm.s32 $0x4180  }
0x40: {  	[tilespmem:s21], [sflag:$0x1] =	stream.indirect_vreg.gather [hbm4b:s1+s3], $0x80, v6, vm0, $0xb8;
	[tilespmem:$0x10180] =	vst v63  }
0x41: {  	s25 =	simm.s32 $0x4980  }
0x42: {  	[tilespmem:s25], [sflag:$0x1] =	stream.indirect_vreg.gather [hbm4b:s7+s3], $0x80, v6, vm0, $0xb8;
	[tilespmem:$0x10180] =	vst v63  }
0x43: {  	s4 =	simm.s32 $0x5180  }
0x44: {  	[tilespmem:s4], [sflag:$0x1] =	stream.indirect_vreg.gather [hbm4b:s8+s3], $0x80, v6, vm0, $0xb8;
	[tilespmem:$0x10180] =	vst v63  }
0x45: {  	s5 =	simm.s32 $0x5980  }
0x46: {  	[tilespmem:s5], [sflag:$0x1] =	stream.indirect_vreg.gather [hbm4b:s9+s3], $0x80, v6, vm0, $0xb8;
	[tilespmem:$0x10180] =	vst v63  }
0x47: {  	s19 =	simm.s32 $0x6180  }
0x48: {  	[tilespmem:s19], [sflag:$0x1] =	stream.indirect_vreg.gather [hbm4b:s10+s3], $0x80, v6, vm0, $0xb8;
	[tilespmem:$0x10180] =	vst v63  }
0x49: {  	s20 =	simm.s32 $0x6980  }
0x4a: {  	[tilespmem:s20], [sflag:$0x1] =	stream.indirect_vreg.gather [hbm4b:s11+s3], $0x80, v6, vm0, $0xb8;
	[tilespmem:$0x10180] =	vst v63  }
0x4b: {  	s21 =	simm.s32 $0x7180  }
0x4c: {  	[tilespmem:s21], [sflag:$0x1] =	stream.indirect_vreg.gather [hbm4b:s12+s3], $0x80, v6, vm0, $0xb8;
	[tilespmem:$0x10180] =	vst v63  }
0x4d: {  	s0 =	simm.s32 $0x0;
	v5 =	vadd.s32 v0, v5;
	s25 =	simm.s32 $0x7980  }
0x4e: {  	[tilespmem:s25], [sflag:$0x1] =	stream.indirect_vreg.gather [hbm4b:s13+s3], $0x80, v6, vm0, $0xb8;
	v6 =	vand.u32 $0x7, v5;
	[tilespmem:$0x10180] =	vst v63  }
.LBB2_2:
0x4f: {  	s4 =	sshll.u32 s0, $0x12  }
0x50: {  	_ =	swait.ge [sflag:s22], $0x8000;
	s4 =	sadd.s32 s14, s4  }
0x51: {  	s19 =	simm.s32 $0x0;
	[sflag:s22] =	ssyncset.done $0x0;
	s4 =	sshrl.u32 s4, $0x3  }
0x52: {  	p0 =	por $0x1, $0x1;
	[sflag:s22] =	ssyncadd.s32 $0xFFFF8000;
	s5 =	sadd.s32 s2, s4  }
.LBB2_3:
0x53: {  	s20 =	sshll.u32 s19, $0xE  }
0x54: {  	s25 =	sshll.u32 s19, $0xD;
	s20 =	sand.u32 $0x3FFFC000, s20  }
0x55: {  	s19 =	sadd.s32 s25, s5;
	s21 =	sor.u32 $0x180, s20  }
0x56: {  	[hbm4b:s19+s23] =	stream.strided.scatter [tilespmem:s21], [sflag:$0x3], $0x400, s24, s23, $0x38;
	[tilespmem:$0x10180] =	vst v63  }
0x57: {  	s25 =	sadd.s32 $0x40, s19;
	s21 =	sor.u32 $0x580, s20  }
0x58: {  	[hbm4b:s25+s23] =	stream.strided.scatter [tilespmem:s21], [sflag:$0x3], $0x400, s24, s23, $0x38;
	[tilespmem:$0x10180] =	vst v63  }
0x59: {  	s21 =	sor.u32 $0x980, s20;
	s25 =	sadd.s32 $0x80, s19  }
0x5a: {  	[hbm4b:s25+s23] =	stream.strided.scatter [tilespmem:s21], [sflag:$0x3], $0x400, s24, s23, $0x38;
	[tilespmem:$0x10180] =	vst v63  }
0x5b: {  	s21 =	sor.u32 $0xD80, s20;
	s25 =	sadd.s32 $0xC0, s19  }
0x5c: {  	[hbm4b:s25+s23] =	stream.strided.scatter [tilespmem:s21], [sflag:$0x3], $0x400, s24, s23, $0x38;
	[tilespmem:$0x10180] =	vst v63  }
0x5d: {  	s21 =	sor.u32 $0x1180, s20;
	s25 =	sadd.s32 $0x100, s19  }
0x5e: {  	[hbm4b:s25+s23] =	stream.strided.scatter [tilespmem:s21], [sflag:$0x3], $0x400, s24, s23, $0x38;
	[tilespmem:$0x10180] =	vst v63  }
0x5f: {  	s21 =	sor.u32 $0x1580, s20;
	s25 =	sadd.s32 $0x140, s19  }
0x60: {  	[hbm4b:s25+s23] =	stream.strided.scatter [tilespmem:s21], [sflag:$0x3], $0x400, s24, s23, $0x38;
	[tilespmem:$0x10180] =	vst v63  }
0x61: {  	s21 =	sor.u32 $0x1980, s20;
	s25 =	sadd.s32 $0x180, s19  }
0x62: {  	[hbm4b:s25+s23] =	stream.strided.scatter [tilespmem:s21], [sflag:$0x3], $0x400, s24, s23, $0x38;
	[tilespmem:$0x10180] =	vst v63  }
0x63: {  	s21 =	sor.u32 $0x1D80, s20;
	s25 =	sadd.s32 $0x1C0, s19  }
0x64: {  	[hbm4b:s25+s23] =	stream.strided.scatter [tilespmem:s21], [sflag:$0x3], $0x400, s24, s23, $0x38;
	[tilespmem:$0x10180] =	vst v63  }
0x65: {  	s21 =	sor.u32 $0x2180, s20;
	s25 =	sadd.s32 $0x200, s19  }
0x66: {  	[hbm4b:s25+s23] =	stream.strided.scatter [tilespmem:s21], [sflag:$0x3], $0x400, s24, s23, $0x38;
	[tilespmem:$0x10180] =	vst v63  }
0x67: {  	s21 =	sor.u32 $0x2580, s20;
	s25 =	sadd.s32 $0x240, s19  }
0x68: {  	[hbm4b:s25+s23] =	stream.strided.scatter [tilespmem:s21], [sflag:$0x3], $0x400, s24, s23, $0x38;
	[tilespmem:$0x10180] =	vst v63  }
0x69: {  	s21 =	sor.u32 $0x2980, s20;
	s25 =	sadd.s32 $0x280, s19  }
0x6a: {  	[hbm4b:s25+s23] =	stream.strided.scatter [tilespmem:s21], [sflag:$0x3], $0x400, s24, s23, $0x38;
	[tilespmem:$0x10180] =	vst v63  }
0x6b: {  	s21 =	sor.u32 $0x2D80, s20;
	s25 =	sadd.s32 $0x2C0, s19  }
0x6c: {  	[hbm4b:s25+s23] =	stream.strided.scatter [tilespmem:s21], [sflag:$0x3], $0x400, s24, s23, $0x38;
	[tilespmem:$0x10180] =	vst v63  }
0x6d: {  	s21 =	sor.u32 $0x3180, s20;
	s25 =	sadd.s32 $0x300, s19  }
0x6e: {  	[hbm4b:s25+s23] =	stream.strided.scatter [tilespmem:s21], [sflag:$0x3], $0x400, s24, s23, $0x38;
	[tilespmem:$0x10180] =	vst v63  }
0x6f: {  	p1 =	por p0, p0;
	s21 =	sor.u32 $0x3580, s20;
	s25 =	sadd.s32 $0x340, s19  }
0x70: {  	[hbm4b:s25+s23] =	stream.strided.scatter [tilespmem:s21], [sflag:$0x3], $0x400, s24, s23, $0x38;
	[tilespmem:$0x10180] =	vst v63  }
.Ltmp2:
0x71: {  	s21 =	sor.u32 $0x3980, s20;
	s25 =	sadd.s32 $0x380, s19;
	(pc) =	sbr.rel @p1 .LBB2_3-.Ltmp2, $4  }
0x72: {  	[hbm4b:s25+s23] =	stream.strided.scatter [tilespmem:s21], [sflag:$0x3], $0x400, s24, s23, $0x38;
	[tilespmem:$0x10180] =	vst v63  }
0x73: {  	s20 =	sor.u32 $0x3D80, s20;
	s19 =	sadd.s32 $0x3C0, s19  }
0x74: {  	[hbm4b:s19+s23] =	stream.strided.scatter [tilespmem:s20], [sflag:$0x3], $0x400, s24, s23, $0x38;
	[tilespmem:$0x10180] =	vst v63  }
0x75: {  	p0 =	por $0x0, $0x0;
	s19 =	simm.s32 $0x1  }
0x76: {  	s5 =	sadd.s32 s4, s15;
	s19 =	simm.s32 $0x0;
	p0 =	por $0x1, $0x1  }
.LBB2_5:
0x77: {  	s20 =	sshll.u32 s19, $0xE  }
0x78: {  	s25 =	sshll.u32 s19, $0xD;
	s20 =	sand.u32 $0x3FFFC000, s20  }
0x79: {  	s19 =	sadd.s32 s25, s5;
	s21 =	sor.u32 $0x180, s20  }
0x7a: {  	[hbm4b:s19+s23] =	stream.strided.scatter [tilespmem:s21], [sflag:$0x3], $0x400, s24, s23, $0x38;
	[tilespmem:$0x10180] =	vst v63  }
0x7b: {  	s25 =	sadd.s32 $0x40, s19;
	s21 =	sor.u32 $0x580, s20  }
0x7c: {  	[hbm4b:s25+s23] =	stream.strided.scatter [tilespmem:s21], [sflag:$0x3], $0x400, s24, s23, $0x38;
	[tilespmem:$0x10180] =	vst v63  }
0x7d: {  	s21 =	sor.u32 $0x980, s20;
	s25 =	sadd.s32 $0x80, s19  }
0x7e: {  	[hbm4b:s25+s23] =	stream.strided.scatter [tilespmem:s21], [sflag:$0x3], $0x400, s24, s23, $0x38;
	[tilespmem:$0x10180] =	vst v63  }
0x7f: {  	s21 =	sor.u32 $0xD80, s20;
	s25 =	sadd.s32 $0xC0, s19  }
0x80: {  	[hbm4b:s25+s23] =	stream.strided.scatter [tilespmem:s21], [sflag:$0x3], $0x400, s24, s23, $0x38;
	[tilespmem:$0x10180] =	vst v63  }
0x81: {  	s21 =	sor.u32 $0x1180, s20;
	s25 =	sadd.s32 $0x100, s19  }
0x82: {  	[hbm4b:s25+s23] =	stream.strided.scatter [tilespmem:s21], [sflag:$0x3], $0x400, s24, s23, $0x38;
	[tilespmem:$0x10180] =	vst v63  }
0x83: {  	s21 =	sor.u32 $0x1580, s20;
	s25 =	sadd.s32 $0x140, s19  }
0x84: {  	[hbm4b:s25+s23] =	stream.strided.scatter [tilespmem:s21], [sflag:$0x3], $0x400, s24, s23, $0x38;
	[tilespmem:$0x10180] =	vst v63  }
0x85: {  	s21 =	sor.u32 $0x1980, s20;
	s25 =	sadd.s32 $0x180, s19  }
0x86: {  	[hbm4b:s25+s23] =	stream.strided.scatter [tilespmem:s21], [sflag:$0x3], $0x400, s24, s23, $0x38;
	[tilespmem:$0x10180] =	vst v63  }
0x87: {  	s21 =	sor.u32 $0x1D80, s20;
	s25 =	sadd.s32 $0x1C0, s19  }
0x88: {  	[hbm4b:s25+s23] =	stream.strided.scatter [tilespmem:s21], [sflag:$0x3], $0x400, s24, s23, $0x38;
	[tilespmem:$0x10180] =	vst v63  }
0x89: {  	s21 =	sor.u32 $0x2180, s20;
	s25 =	sadd.s32 $0x200, s19  }
0x8a: {  	[hbm4b:s25+s23] =	stream.strided.scatter [tilespmem:s21], [sflag:$0x3], $0x400, s24, s23, $0x38;
	[tilespmem:$0x10180] =	vst v63  }
0x8b: {  	s21 =	sor.u32 $0x2580, s20;
	s25 =	sadd.s32 $0x240, s19  }
0x8c: {  	[hbm4b:s25+s23] =	stream.strided.scatter [tilespmem:s21], [sflag:$0x3], $0x400, s24, s23, $0x38;
	[tilespmem:$0x10180] =	vst v63  }
0x8d: {  	s21 =	sor.u32 $0x2980, s20;
	s25 =	sadd.s32 $0x280, s19  }
0x8e: {  	[hbm4b:s25+s23] =	stream.strided.scatter [tilespmem:s21], [sflag:$0x3], $0x400, s24, s23, $0x38;
	[tilespmem:$0x10180] =	vst v63  }
0x8f: {  	s21 =	sor.u32 $0x2D80, s20;
	s25 =	sadd.s32 $0x2C0, s19  }
0x90: {  	[hbm4b:s25+s23] =	stream.strided.scatter [tilespmem:s21], [sflag:$0x3], $0x400, s24, s23, $0x38;
	[tilespmem:$0x10180] =	vst v63  }
0x91: {  	s21 =	sor.u32 $0x3180, s20;
	s25 =	sadd.s32 $0x300, s19  }
0x92: {  	[hbm4b:s25+s23] =	stream.strided.scatter [tilespmem:s21], [sflag:$0x3], $0x400, s24, s23, $0x38;
	[tilespmem:$0x10180] =	vst v63  }
0x93: {  	p1 =	por p0, p0;
	s21 =	sor.u32 $0x3580, s20;
	s25 =	sadd.s32 $0x340, s19  }
0x94: {  	[hbm4b:s25+s23] =	stream.strided.scatter [tilespmem:s21], [sflag:$0x3], $0x400, s24, s23, $0x38;
	[tilespmem:$0x10180] =	vst v63  }
.Ltmp3:
0x95: {  	s21 =	sor.u32 $0x3980, s20;
	s25 =	sadd.s32 $0x380, s19;
	(pc) =	sbr.rel @p1 .LBB2_5-.Ltmp3, $4  }
0x96: {  	[hbm4b:s25+s23] =	stream.strided.scatter [tilespmem:s21], [sflag:$0x3], $0x400, s24, s23, $0x38;
	[tilespmem:$0x10180] =	vst v63  }
0x97: {  	s20 =	sor.u32 $0x3D80, s20;
	s19 =	sadd.s32 $0x3C0, s19  }
0x98: {  	[hbm4b:s19+s23] =	stream.strided.scatter [tilespmem:s20], [sflag:$0x3], $0x400, s24, s23, $0x38;
	[tilespmem:$0x10180] =	vst v63  }
0x99: {  	p0 =	por $0x0, $0x0;
	s19 =	simm.s32 $0x1  }
0x9a: {  	s5 =	sadd.s32 s4, s16;
	s19 =	simm.s32 $0x0;
	p0 =	por $0x1, $0x1  }
.LBB2_7:
0x9b: {  	s20 =	sshll.u32 s19, $0xE  }
0x9c: {  	s25 =	sshll.u32 s19, $0xD;
	s20 =	sand.u32 $0x3FFFC000, s20  }
0x9d: {  	s19 =	sadd.s32 s25, s5;
	s21 =	sor.u32 $0x180, s20  }
0x9e: {  	[hbm4b:s19+s23] =	stream.strided.scatter [tilespmem:s21], [sflag:$0x3], $0x400, s24, s23, $0x38;
	[tilespmem:$0x10180] =	vst v63  }
0x9f: {  	s25 =	sadd.s32 $0x40, s19;
	s21 =	sor.u32 $0x580, s20  }
0xa0: {  	[hbm4b:s25+s23] =	stream.strided.scatter [tilespmem:s21], [sflag:$0x3], $0x400, s24, s23, $0x38;
	[tilespmem:$0x10180] =	vst v63  }
0xa1: {  	s21 =	sor.u32 $0x980, s20;
	s25 =	sadd.s32 $0x80, s19  }
0xa2: {  	[hbm4b:s25+s23] =	stream.strided.scatter [tilespmem:s21], [sflag:$0x3], $0x400, s24, s23, $0x38;
	[tilespmem:$0x10180] =	vst v63  }
0xa3: {  	s21 =	sor.u32 $0xD80, s20;
	s25 =	sadd.s32 $0xC0, s19  }
0xa4: {  	[hbm4b:s25+s23] =	stream.strided.scatter [tilespmem:s21], [sflag:$0x3], $0x400, s24, s23, $0x38;
	[tilespmem:$0x10180] =	vst v63  }
0xa5: {  	s21 =	sor.u32 $0x1180, s20;
	s25 =	sadd.s32 $0x100, s19  }
0xa6: {  	[hbm4b:s25+s23] =	stream.strided.scatter [tilespmem:s21], [sflag:$0x3], $0x400, s24, s23, $0x38;
	[tilespmem:$0x10180] =	vst v63  }
0xa7: {  	s21 =	sor.u32 $0x1580, s20;
	s25 =	sadd.s32 $0x140, s19  }
0xa8: {  	[hbm4b:s25+s23] =	stream.strided.scatter [tilespmem:s21], [sflag:$0x3], $0x400, s24, s23, $0x38;
	[tilespmem:$0x10180] =	vst v63  }
0xa9: {  	s21 =	sor.u32 $0x1980, s20;
	s25 =	sadd.s32 $0x180, s19  }
0xaa: {  	[hbm4b:s25+s23] =	stream.strided.scatter [tilespmem:s21], [sflag:$0x3], $0x400, s24, s23, $0x38;
	[tilespmem:$0x10180] =	vst v63  }
0xab: {  	s21 =	sor.u32 $0x1D80, s20;
	s25 =	sadd.s32 $0x1C0, s19  }
0xac: {  	[hbm4b:s25+s23] =	stream.strided.scatter [tilespmem:s21], [sflag:$0x3], $0x400, s24, s23, $0x38;
	[tilespmem:$0x10180] =	vst v63  }
0xad: {  	s21 =	sor.u32 $0x2180, s20;
	s25 =	sadd.s32 $0x200, s19  }
0xae: {  	[hbm4b:s25+s23] =	stream.strided.scatter [tilespmem:s21], [sflag:$0x3], $0x400, s24, s23, $0x38;
	[tilespmem:$0x10180] =	vst v63  }
0xaf: {  	s21 =	sor.u32 $0x2580, s20;
	s25 =	sadd.s32 $0x240, s19  }
0xb0: {  	[hbm4b:s25+s23] =	stream.strided.scatter [tilespmem:s21], [sflag:$0x3], $0x400, s24, s23, $0x38;
	[tilespmem:$0x10180] =	vst v63  }
0xb1: {  	s21 =	sor.u32 $0x2980, s20;
	s25 =	sadd.s32 $0x280, s19  }
0xb2: {  	[hbm4b:s25+s23] =	stream.strided.scatter [tilespmem:s21], [sflag:$0x3], $0x400, s24, s23, $0x38;
	[tilespmem:$0x10180] =	vst v63  }
0xb3: {  	s21 =	sor.u32 $0x2D80, s20;
	s25 =	sadd.s32 $0x2C0, s19  }
0xb4: {  	[hbm4b:s25+s23] =	stream.strided.scatter [tilespmem:s21], [sflag:$0x3], $0x400, s24, s23, $0x38;
	[tilespmem:$0x10180] =	vst v63  }
0xb5: {  	s21 =	sor.u32 $0x3180, s20;
	s25 =	sadd.s32 $0x300, s19  }
0xb6: {  	[hbm4b:s25+s23] =	stream.strided.scatter [tilespmem:s21], [sflag:$0x3], $0x400, s24, s23, $0x38;
	[tilespmem:$0x10180] =	vst v63  }
0xb7: {  	p1 =	por p0, p0;
	s21 =	sor.u32 $0x3580, s20;
	s25 =	sadd.s32 $0x340, s19  }
0xb8: {  	[hbm4b:s25+s23] =	stream.strided.scatter [tilespmem:s21], [sflag:$0x3], $0x400, s24, s23, $0x38;
	[tilespmem:$0x10180] =	vst v63  }
.Ltmp4:
0xb9: {  	s21 =	sor.u32 $0x3980, s20;
	s25 =	sadd.s32 $0x380, s19;
	(pc) =	sbr.rel @p1 .LBB2_7-.Ltmp4, $4  }
0xba: {  	[hbm4b:s25+s23] =	stream.strided.scatter [tilespmem:s21], [sflag:$0x3], $0x400, s24, s23, $0x38;
	[tilespmem:$0x10180] =	vst v63  }
0xbb: {  	s20 =	sor.u32 $0x3D80, s20;
	s19 =	sadd.s32 $0x3C0, s19  }
0xbc: {  	[hbm4b:s19+s23] =	stream.strided.scatter [tilespmem:s20], [sflag:$0x3], $0x400, s24, s23, $0x38;
	[tilespmem:$0x10180] =	vst v63  }
0xbd: {  	p0 =	por $0x0, $0x0;
	s19 =	simm.s32 $0x1  }
0xbe: {  	s4 =	sadd.s32 s4, s17;
	s5 =	simm.s32 $0x0;
	p0 =	por $0x1, $0x1  }
.LBB2_9:
0xbf: {  	s19 =	sshll.u32 s5, $0xE  }
0xc0: {  	s21 =	sshll.u32 s5, $0xD;
	s19 =	sand.u32 $0x3FFFC000, s19  }
0xc1: {  	s5 =	sadd.s32 s21, s4;
	s20 =	sor.u32 $0x180, s19  }
0xc2: {  	[hbm4b:s5+s23] =	stream.strided.scatter [tilespmem:s20], [sflag:$0x3], $0x400, s24, s23, $0x38;
	[tilespmem:$0x10180] =	vst v63  }
0xc3: {  	s25 =	sor.u32 $0x580, s19;
	s21 =	sadd.s32 $0x40, s5  }
0xc4: {  	[hbm4b:s21+s23] =	stream.strided.scatter [tilespmem:s25], [sflag:$0x3], $0x400, s24, s23, $0x38;
	[tilespmem:$0x10180] =	vst v63  }
0xc5: {  	s21 =	sor.u32 $0x980, s19;
	s25 =	sadd.s32 $0x80, s5  }
0xc6: {  	[hbm4b:s25+s23] =	stream.strided.scatter [tilespmem:s21], [sflag:$0x3], $0x400, s24, s23, $0x38;
	[tilespmem:$0x10180] =	vst v63  }
0xc7: {  	s21 =	sor.u32 $0xD80, s19;
	s25 =	sadd.s32 $0xC0, s5  }
0xc8: {  	[hbm4b:s25+s23] =	stream.strided.scatter [tilespmem:s21], [sflag:$0x3], $0x400, s24, s23, $0x38;
	[tilespmem:$0x10180] =	vst v63  }
0xc9: {  	s21 =	sor.u32 $0x1180, s19;
	s25 =	sadd.s32 $0x100, s5  }
0xca: {  	[hbm4b:s25+s23] =	stream.strided.scatter [tilespmem:s21], [sflag:$0x3], $0x400, s24, s23, $0x38;
	[tilespmem:$0x10180] =	vst v63  }
0xcb: {  	s21 =	sor.u32 $0x1580, s19;
	s25 =	sadd.s32 $0x140, s5  }
0xcc: {  	[hbm4b:s25+s23] =	stream.strided.scatter [tilespmem:s21], [sflag:$0x3], $0x400, s24, s23, $0x38;
	[tilespmem:$0x10180] =	vst v63  }
0xcd: {  	s21 =	sor.u32 $0x1980, s19;
	s25 =	sadd.s32 $0x180, s5  }
0xce: {  	[hbm4b:s25+s23] =	stream.strided.scatter [tilespmem:s21], [sflag:$0x3], $0x400, s24, s23, $0x38;
	[tilespmem:$0x10180] =	vst v63  }
0xcf: {  	s21 =	sor.u32 $0x1D80, s19;
	s25 =	sadd.s32 $0x1C0, s5  }
0xd0: {  	[hbm4b:s25+s23] =	stream.strided.scatter [tilespmem:s21], [sflag:$0x3], $0x400, s24, s23, $0x38;
	[tilespmem:$0x10180] =	vst v63  }
0xd1: {  	s21 =	sor.u32 $0x2180, s19;
	s25 =	sadd.s32 $0x200, s5  }
0xd2: {  	[hbm4b:s25+s23] =	stream.strided.scatter [tilespmem:s21], [sflag:$0x3], $0x400, s24, s23, $0x38;
	[tilespmem:$0x10180] =	vst v63  }
0xd3: {  	s21 =	sor.u32 $0x2580, s19;
	s25 =	sadd.s32 $0x240, s5  }
0xd4: {  	[hbm4b:s25+s23] =	stream.strided.scatter [tilespmem:s21], [sflag:$0x3], $0x400, s24, s23, $0x38;
	[tilespmem:$0x10180] =	vst v63  }
0xd5: {  	s21 =	sor.u32 $0x2980, s19;
	s25 =	sadd.s32 $0x280, s5  }
0xd6: {  	[hbm4b:s25+s23] =	stream.strided.scatter [tilespmem:s21], [sflag:$0x3], $0x400, s24, s23, $0x38;
	[tilespmem:$0x10180] =	vst v63  }
0xd7: {  	s21 =	sor.u32 $0x2D80, s19;
	s25 =	sadd.s32 $0x2C0, s5  }
0xd8: {  	[hbm4b:s25+s23] =	stream.strided.scatter [tilespmem:s21], [sflag:$0x3], $0x400, s24, s23, $0x38;
	[tilespmem:$0x10180] =	vst v63  }
0xd9: {  	s21 =	sor.u32 $0x3180, s19;
	s25 =	sadd.s32 $0x300, s5  }
0xda: {  	[hbm4b:s25+s23] =	stream.strided.scatter [tilespmem:s21], [sflag:$0x3], $0x400, s24, s23, $0x38;
	[tilespmem:$0x10180] =	vst v63  }
0xdb: {  	p1 =	por p0, p0;
	s21 =	sor.u32 $0x3580, s19;
	s25 =	sadd.s32 $0x340, s5  }
0xdc: {  	[hbm4b:s25+s23] =	stream.strided.scatter [tilespmem:s21], [sflag:$0x3], $0x400, s24, s23, $0x38;
	[tilespmem:$0x10180] =	vst v63  }
.Ltmp5:
0xdd: {  	s21 =	sor.u32 $0x3980, s19;
	s25 =	sadd.s32 $0x380, s5;
	(pc) =	sbr.rel @p1 .LBB2_9-.Ltmp5, $4  }
0xde: {  	[hbm4b:s25+s23] =	stream.strided.scatter [tilespmem:s21], [sflag:$0x3], $0x400, s24, s23, $0x38;
	[tilespmem:$0x10180] =	vst v63  }
0xdf: {  	s19 =	sor.u32 $0x3D80, s19;
	s5 =	sadd.s32 $0x3C0, s5  }
0xe0: {  	[hbm4b:s5+s23] =	stream.strided.scatter [tilespmem:s19], [sflag:$0x3], $0x400, s24, s23, $0x38;
	[tilespmem:$0x10180] =	vst v63  }
0xe1: {  	p0 =	por $0x0, $0x0;
	s5 =	simm.s32 $0x1  }
0xe2: {  	s4 =	sshll.u32 s0, $0x1;
	p0 =	seq.s32 s0, $0x0  }
0xe3: {  	s5 =	simm.s32 @!p0 $0x4;
	s4 =	sor.u32 $0x1, s4  }
0xe4: {  	_ =	swait.ge @!p0 [sflag:s5], $0x8000;
	s19 =	sshll.u32 s4, $0x4  }
0xe5: {  	[sflag:s5] =	ssyncset.done @!p0 $0x0;
	s19 =	sadd.s32 s6, s19  }
0xe6: {  	[sflag:s5] =	ssyncadd.s32 @!p0 $0xFFFF8000;
	v7 =	vadd.s32 s19, v5  }
0xe7: {  	_ =	swait.ge @!p0 [sflag:s5], $0x8000;
	v8 =	vshll.u32 v7, $0x4  }
0xe8: {  	[sflag:s5] =	ssyncset.done @!p0 $0x0;
	v8 =	vand.u32 $0xFFFFFF80, v8  }
0xe9: {  	[sflag:s5] =	ssyncadd.s32 @!p0 $0xFFFF8000;
	v8 =	vor.u32 v6, v8  }
0xea: {  	_ =	swait.ge @!p0 [sflag:s5], $0x8000;
	v9 =	vperm.xlane v8, v2  }
0xeb: {  	[sflag:s5] =	ssyncset.done @!p0 $0x0  }
0xec: {  	[sflag:s5] =	ssyncadd.s32 @!p0 $0xFFFF8000;
	v9 =	vadd.s32 v3, v9  }
0xed: {  	_ =	swait.ge @!p0 [sflag:s5], $0x8000  }
0xee: {  	[sflag:s5] =	ssyncset.done @!p0 $0x0  }
0xef: {  	[sflag:s5] =	ssyncadd.s32 @!p0 $0xFFFF8000  }
0xf0: {  	s25 =	simm.s32 $0x8180;
	s19 =	simm.s32 $0x0;
	[tilespmem:$0x100] =	vst v7  }
0xf1: {  	[tilespmem:s25], [sflag:$0x2] =	stream.indirect_vreg.gather [hbm4b:s1+s19], $0x80, v9, vm0, $0xb8;
	[tilespmem:$0x10180] =	vst v63  }
0xf2: {  	s20 =	simm.s32 $0x8980  }
0xf3: {  	[tilespmem:s20], [sflag:$0x2] =	stream.indirect_vreg.gather [hbm4b:s7+s19], $0x80, v9, vm0, $0xb8;
	[tilespmem:$0x10180] =	vst v63  }
0xf4: {  	s21 =	simm.s32 $0x9180  }
0xf5: {  	[tilespmem:s21], [sflag:$0x2] =	stream.indirect_vreg.gather [hbm4b:s8+s19], $0x80, v9, vm0, $0xb8;
	[tilespmem:$0x10180] =	vst v63  }
0xf6: {  	s25 =	simm.s32 $0x9980  }
0xf7: {  	[tilespmem:s25], [sflag:$0x2] =	stream.indirect_vreg.gather [hbm4b:s9+s19], $0x80, v9, vm0, $0xb8;
	[tilespmem:$0x10180] =	vst v63  }
0xf8: {  	s20 =	simm.s32 $0xA180  }
0xf9: {  	[tilespmem:s20], [sflag:$0x2] =	stream.indirect_vreg.gather [hbm4b:s10+s19], $0x80, v9, vm0, $0xb8;
	[tilespmem:$0x10180] =	vst v63  }
0xfa: {  	v7 =	vperm.xlane v8, v4;
	s21 =	simm.s32 $0xA980  }
0xfb: {  	[tilespmem:s21], [sflag:$0x2] =	stream.indirect_vreg.gather [hbm4b:s11+s19], $0x80, v9, vm0, $0xb8;
	[tilespmem:$0x10180] =	vst v63  }
0xfc: {  	v7 =	vadd.s32 v3, v7;
	s25 =	simm.s32 $0xB180  }
0xfd: {  	[tilespmem:s25], [sflag:$0x2] =	stream.indirect_vreg.gather [hbm4b:s12+s19], $0x80, v9, vm0, $0xb8;
	[tilespmem:$0x10180] =	vst v63  }
0xfe: {  	s20 =	simm.s32 $0xB980  }
0xff: {  	[tilespmem:s20], [sflag:$0x2] =	stream.indirect_vreg.gather [hbm4b:s13+s19], $0x80, v9, vm0, $0xb8;
	[tilespmem:$0x10180] =	vst v63  }
0x100: {  	s21 =	simm.s32 $0xC180  }
0x101: {  	[tilespmem:s21], [sflag:$0x2] =	stream.indirect_vreg.gather [hbm4b:s1+s19], $0x80, v7, vm0, $0xb8;
	[tilespmem:$0x10180] =	vst v63  }
0x102: {  	s25 =	simm.s32 $0xC980  }
0x103: {  	[tilespmem:s25], [sflag:$0x2] =	stream.indirect_vreg.gather [hbm4b:s7+s19], $0x80, v7, vm0, $0xb8;
	[tilespmem:$0x10180] =	vst v63  }
0x104: {  	s20 =	simm.s32 $0xD180  }
0x105: {  	[tilespmem:s20], [sflag:$0x2] =	stream.indirect_vreg.gather [hbm4b:s8+s19], $0x80, v7, vm0, $0xb8;
	[tilespmem:$0x10180] =	vst v63  }
0x106: {  	s21 =	simm.s32 $0xD980  }
0x107: {  	[tilespmem:s21], [sflag:$0x2] =	stream.indirect_vreg.gather [hbm4b:s9+s19], $0x80, v7, vm0, $0xb8;
	[tilespmem:$0x10180] =	vst v63  }
0x108: {  	s25 =	simm.s32 $0xE180  }
0x109: {  	[tilespmem:s25], [sflag:$0x2] =	stream.indirect_vreg.gather [hbm4b:s10+s19], $0x80, v7, vm0, $0xb8;
	[tilespmem:$0x10180] =	vst v63  }
0x10a: {  	_ = 	snop  }
0x10b: {  	[tilespmem:s26], [sflag:$0x2] =	stream.indirect_vreg.gather [hbm4b:s11+s19], $0x80, v7, vm0, $0xb8;
	[tilespmem:$0x10180] =	vst v63  }
0x10c: {  	_ = 	snop  }
0x10d: {  	[tilespmem:s28], [sflag:$0x2] =	stream.indirect_vreg.gather [hbm4b:s12+s19], $0x80, v7, vm0, $0xb8;
	[tilespmem:$0x10180] =	vst v63  }
0x10e: {  	s4 =	sshll.u32 s4, $0x11  }
0x10f: {  	[tilespmem:s29], [sflag:$0x2] =	stream.indirect_vreg.gather [hbm4b:s13+s19], $0x80, v7, vm0, $0xb8;
	[tilespmem:$0x10180] =	vst v63  }
0x110: {  	s4 =	sadd.s32 s14, s4;
	_ =	swait.ge [sflag:s30], $0x8000  }
0x111: {  	s4 =	sshrl.u32 s4, $0x3;
	[sflag:s30] =	ssyncset.done $0x0  }
0x112: {  	s5 =	sadd.s32 s2, s4;
	p0 =	por $0x1, $0x1;
	[sflag:s30] =	ssyncadd.s32 $0xFFFF8000  }
.LBB2_11:
0x113: {  	s20 =	sshll.u32 s19, $0xE  }
0x114: {  	s25 =	sshll.u32 s19, $0xD;
	s20 =	sand.u32 $0x3FFFC000, s20  }
0x115: {  	s19 =	sadd.s32 s25, s5;
	s21 =	sadd.s32 $0x8180, s20  }
0x116: {  	[hbm4b:s19+s23] =	stream.strided.scatter [tilespmem:s21], [sflag:$0x4], $0x400, s24, s23, $0x38;
	[tilespmem:$0x10180] =	vst v63  }
0x117: {  	s25 =	sadd.s32 $0x40, s19;
	s21 =	sadd.s32 $0x8580, s20  }
0x118: {  	[hbm4b:s25+s23] =	stream.strided.scatter [tilespmem:s21], [sflag:$0x4], $0x400, s24, s23, $0x38;
	[tilespmem:$0x10180] =	vst v63  }
0x119: {  	s21 =	sadd.s32 $0x8980, s20;
	s25 =	sadd.s32 $0x80, s19  }
0x11a: {  	[hbm4b:s25+s23] =	stream.strided.scatter [tilespmem:s21], [sflag:$0x4], $0x400, s24, s23, $0x38;
	[tilespmem:$0x10180] =	vst v63  }
0x11b: {  	s21 =	sadd.s32 $0x8D80, s20;
	s25 =	sadd.s32 $0xC0, s19  }
0x11c: {  	[hbm4b:s25+s23] =	stream.strided.scatter [tilespmem:s21], [sflag:$0x4], $0x400, s24, s23, $0x38;
	[tilespmem:$0x10180] =	vst v63  }
0x11d: {  	s21 =	sadd.s32 $0x9180, s20;
	s25 =	sadd.s32 $0x100, s19  }
0x11e: {  	[hbm4b:s25+s23] =	stream.strided.scatter [tilespmem:s21], [sflag:$0x4], $0x400, s24, s23, $0x38;
	[tilespmem:$0x10180] =	vst v63  }
0x11f: {  	s21 =	sadd.s32 $0x9580, s20;
	s25 =	sadd.s32 $0x140, s19  }
0x120: {  	[hbm4b:s25+s23] =	stream.strided.scatter [tilespmem:s21], [sflag:$0x4], $0x400, s24, s23, $0x38;
	[tilespmem:$0x10180] =	vst v63  }
0x121: {  	s21 =	sadd.s32 $0x9980, s20;
	s25 =	sadd.s32 $0x180, s19  }
0x122: {  	[hbm4b:s25+s23] =	stream.strided.scatter [tilespmem:s21], [sflag:$0x4], $0x400, s24, s23, $0x38;
	[tilespmem:$0x10180] =	vst v63  }
0x123: {  	s21 =	sadd.s32 $0x9D80, s20;
	s25 =	sadd.s32 $0x1C0, s19  }
0x124: {  	[hbm4b:s25+s23] =	stream.strided.scatter [tilespmem:s21], [sflag:$0x4], $0x400, s24, s23, $0x38;
	[tilespmem:$0x10180] =	vst v63  }
0x125: {  	s21 =	sadd.s32 $0xA180, s20;
	s25 =	sadd.s32 $0x200, s19  }
0x126: {  	[hbm4b:s25+s23] =	stream.strided.scatter [tilespmem:s21], [sflag:$0x4], $0x400, s24, s23, $0x38;
	[tilespmem:$0x10180] =	vst v63  }
0x127: {  	s21 =	sadd.s32 $0xA580, s20;
	s25 =	sadd.s32 $0x240, s19  }
0x128: {  	[hbm4b:s25+s23] =	stream.strided.scatter [tilespmem:s21], [sflag:$0x4], $0x400, s24, s23, $0x38;
	[tilespmem:$0x10180] =	vst v63  }
0x129: {  	s21 =	sadd.s32 $0xA980, s20;
	s25 =	sadd.s32 $0x280, s19  }
0x12a: {  	[hbm4b:s25+s23] =	stream.strided.scatter [tilespmem:s21], [sflag:$0x4], $0x400, s24, s23, $0x38;
	[tilespmem:$0x10180] =	vst v63  }
0x12b: {  	s21 =	sadd.s32 $0xAD80, s20;
	s25 =	sadd.s32 $0x2C0, s19  }
0x12c: {  	[hbm4b:s25+s23] =	stream.strided.scatter [tilespmem:s21], [sflag:$0x4], $0x400, s24, s23, $0x38;
	[tilespmem:$0x10180] =	vst v63  }
0x12d: {  	s21 =	sadd.s32 $0xB180, s20;
	s25 =	sadd.s32 $0x300, s19  }
0x12e: {  	[hbm4b:s25+s23] =	stream.strided.scatter [tilespmem:s21], [sflag:$0x4], $0x400, s24, s23, $0x38;
	[tilespmem:$0x10180] =	vst v63  }
0x12f: {  	p1 =	por p0, p0;
	s21 =	sadd.s32 $0xB580, s20;
	s25 =	sadd.s32 $0x340, s19  }
0x130: {  	[hbm4b:s25+s23] =	stream.strided.scatter [tilespmem:s21], [sflag:$0x4], $0x400, s24, s23, $0x38;
	[tilespmem:$0x10180] =	vst v63  }
.Ltmp6:
0x131: {  	s21 =	sadd.s32 $0xB980, s20;
	s25 =	sadd.s32 $0x380, s19;
	(pc) =	sbr.rel @p1 .LBB2_11-.Ltmp6, $4  }
0x132: {  	[hbm4b:s25+s23] =	stream.strided.scatter [tilespmem:s21], [sflag:$0x4], $0x400, s24, s23, $0x38;
	[tilespmem:$0x10180] =	vst v63  }
0x133: {  	s20 =	sadd.s32 $0xBD80, s20;
	s19 =	sadd.s32 $0x3C0, s19  }
0x134: {  	[hbm4b:s19+s23] =	stream.strided.scatter [tilespmem:s20], [sflag:$0x4], $0x400, s24, s23, $0x38;
	[tilespmem:$0x10180] =	vst v63  }
0x135: {  	p0 =	por $0x0, $0x0;
	s19 =	simm.s32 $0x1  }
0x136: {  	s5 =	sadd.s32 s4, s15;
	s19 =	simm.s32 $0x0;
	p0 =	por $0x1, $0x1  }
.LBB2_13:
0x137: {  	s20 =	sshll.u32 s19, $0xE  }
0x138: {  	s25 =	sshll.u32 s19, $0xD;
	s20 =	sand.u32 $0x3FFFC000, s20  }
0x139: {  	s19 =	sadd.s32 s25, s5;
	s21 =	sadd.s32 $0x8180, s20  }
0x13a: {  	[hbm4b:s19+s23] =	stream.strided.scatter [tilespmem:s21], [sflag:$0x4], $0x400, s24, s23, $0x38;
	[tilespmem:$0x10180] =	vst v63  }
0x13b: {  	s25 =	sadd.s32 $0x40, s19;
	s21 =	sadd.s32 $0x8580, s20  }
0x13c: {  	[hbm4b:s25+s23] =	stream.strided.scatter [tilespmem:s21], [sflag:$0x4], $0x400, s24, s23, $0x38;
	[tilespmem:$0x10180] =	vst v63  }
0x13d: {  	s21 =	sadd.s32 $0x8980, s20;
	s25 =	sadd.s32 $0x80, s19  }
0x13e: {  	[hbm4b:s25+s23] =	stream.strided.scatter [tilespmem:s21], [sflag:$0x4], $0x400, s24, s23, $0x38;
	[tilespmem:$0x10180] =	vst v63  }
0x13f: {  	s21 =	sadd.s32 $0x8D80, s20;
	s25 =	sadd.s32 $0xC0, s19  }
0x140: {  	[hbm4b:s25+s23] =	stream.strided.scatter [tilespmem:s21], [sflag:$0x4], $0x400, s24, s23, $0x38;
	[tilespmem:$0x10180] =	vst v63  }
0x141: {  	s21 =	sadd.s32 $0x9180, s20;
	s25 =	sadd.s32 $0x100, s19  }
0x142: {  	[hbm4b:s25+s23] =	stream.strided.scatter [tilespmem:s21], [sflag:$0x4], $0x400, s24, s23, $0x38;
	[tilespmem:$0x10180] =	vst v63  }
0x143: {  	s21 =	sadd.s32 $0x9580, s20;
	s25 =	sadd.s32 $0x140, s19  }
0x144: {  	[hbm4b:s25+s23] =	stream.strided.scatter [tilespmem:s21], [sflag:$0x4], $0x400, s24, s23, $0x38;
	[tilespmem:$0x10180] =	vst v63  }
0x145: {  	s21 =	sadd.s32 $0x9980, s20;
	s25 =	sadd.s32 $0x180, s19  }
0x146: {  	[hbm4b:s25+s23] =	stream.strided.scatter [tilespmem:s21], [sflag:$0x4], $0x400, s24, s23, $0x38;
	[tilespmem:$0x10180] =	vst v63  }
0x147: {  	s21 =	sadd.s32 $0x9D80, s20;
	s25 =	sadd.s32 $0x1C0, s19  }
0x148: {  	[hbm4b:s25+s23] =	stream.strided.scatter [tilespmem:s21], [sflag:$0x4], $0x400, s24, s23, $0x38;
	[tilespmem:$0x10180] =	vst v63  }
0x149: {  	s21 =	sadd.s32 $0xA180, s20;
	s25 =	sadd.s32 $0x200, s19  }
0x14a: {  	[hbm4b:s25+s23] =	stream.strided.scatter [tilespmem:s21], [sflag:$0x4], $0x400, s24, s23, $0x38;
	[tilespmem:$0x10180] =	vst v63  }
0x14b: {  	s21 =	sadd.s32 $0xA580, s20;
	s25 =	sadd.s32 $0x240, s19  }
0x14c: {  	[hbm4b:s25+s23] =	stream.strided.scatter [tilespmem:s21], [sflag:$0x4], $0x400, s24, s23, $0x38;
	[tilespmem:$0x10180] =	vst v63  }
0x14d: {  	s21 =	sadd.s32 $0xA980, s20;
	s25 =	sadd.s32 $0x280, s19  }
0x14e: {  	[hbm4b:s25+s23] =	stream.strided.scatter [tilespmem:s21], [sflag:$0x4], $0x400, s24, s23, $0x38;
	[tilespmem:$0x10180] =	vst v63  }
0x14f: {  	s21 =	sadd.s32 $0xAD80, s20;
	s25 =	sadd.s32 $0x2C0, s19  }
0x150: {  	[hbm4b:s25+s23] =	stream.strided.scatter [tilespmem:s21], [sflag:$0x4], $0x400, s24, s23, $0x38;
	[tilespmem:$0x10180] =	vst v63  }
0x151: {  	s21 =	sadd.s32 $0xB180, s20;
	s25 =	sadd.s32 $0x300, s19  }
0x152: {  	[hbm4b:s25+s23] =	stream.strided.scatter [tilespmem:s21], [sflag:$0x4], $0x400, s24, s23, $0x38;
	[tilespmem:$0x10180] =	vst v63  }
0x153: {  	p1 =	por p0, p0;
	s21 =	sadd.s32 $0xB580, s20;
	s25 =	sadd.s32 $0x340, s19  }
0x154: {  	[hbm4b:s25+s23] =	stream.strided.scatter [tilespmem:s21], [sflag:$0x4], $0x400, s24, s23, $0x38;
	[tilespmem:$0x10180] =	vst v63  }
.Ltmp7:
0x155: {  	s21 =	sadd.s32 $0xB980, s20;
	s25 =	sadd.s32 $0x380, s19;
	(pc) =	sbr.rel @p1 .LBB2_13-.Ltmp7, $4  }
0x156: {  	[hbm4b:s25+s23] =	stream.strided.scatter [tilespmem:s21], [sflag:$0x4], $0x400, s24, s23, $0x38;
	[tilespmem:$0x10180] =	vst v63  }
0x157: {  	s20 =	sadd.s32 $0xBD80, s20;
	s19 =	sadd.s32 $0x3C0, s19  }
0x158: {  	[hbm4b:s19+s23] =	stream.strided.scatter [tilespmem:s20], [sflag:$0x4], $0x400, s24, s23, $0x38;
	[tilespmem:$0x10180] =	vst v63  }
0x159: {  	p0 =	por $0x0, $0x0;
	s19 =	simm.s32 $0x1  }
0x15a: {  	s5 =	sadd.s32 s4, s16;
	s19 =	simm.s32 $0x0;
	p0 =	por $0x1, $0x1  }
.LBB2_15:
0x15b: {  	s20 =	sshll.u32 s19, $0xE  }
0x15c: {  	s25 =	sshll.u32 s19, $0xD;
	s20 =	sand.u32 $0x3FFFC000, s20  }
0x15d: {  	s19 =	sadd.s32 s25, s5;
	s21 =	sadd.s32 $0x8180, s20  }
0x15e: {  	[hbm4b:s19+s23] =	stream.strided.scatter [tilespmem:s21], [sflag:$0x4], $0x400, s24, s23, $0x38;
	[tilespmem:$0x10180] =	vst v63  }
0x15f: {  	s25 =	sadd.s32 $0x40, s19;
	s21 =	sadd.s32 $0x8580, s20  }
0x160: {  	[hbm4b:s25+s23] =	stream.strided.scatter [tilespmem:s21], [sflag:$0x4], $0x400, s24, s23, $0x38;
	[tilespmem:$0x10180] =	vst v63  }
0x161: {  	s21 =	sadd.s32 $0x8980, s20;
	s25 =	sadd.s32 $0x80, s19  }
0x162: {  	[hbm4b:s25+s23] =	stream.strided.scatter [tilespmem:s21], [sflag:$0x4], $0x400, s24, s23, $0x38;
	[tilespmem:$0x10180] =	vst v63  }
0x163: {  	s21 =	sadd.s32 $0x8D80, s20;
	s25 =	sadd.s32 $0xC0, s19  }
0x164: {  	[hbm4b:s25+s23] =	stream.strided.scatter [tilespmem:s21], [sflag:$0x4], $0x400, s24, s23, $0x38;
	[tilespmem:$0x10180] =	vst v63  }
0x165: {  	s21 =	sadd.s32 $0x9180, s20;
	s25 =	sadd.s32 $0x100, s19  }
0x166: {  	[hbm4b:s25+s23] =	stream.strided.scatter [tilespmem:s21], [sflag:$0x4], $0x400, s24, s23, $0x38;
	[tilespmem:$0x10180] =	vst v63  }
0x167: {  	s21 =	sadd.s32 $0x9580, s20;
	s25 =	sadd.s32 $0x140, s19  }
0x168: {  	[hbm4b:s25+s23] =	stream.strided.scatter [tilespmem:s21], [sflag:$0x4], $0x400, s24, s23, $0x38;
	[tilespmem:$0x10180] =	vst v63  }
0x169: {  	s21 =	sadd.s32 $0x9980, s20;
	s25 =	sadd.s32 $0x180, s19  }
0x16a: {  	[hbm4b:s25+s23] =	stream.strided.scatter [tilespmem:s21], [sflag:$0x4], $0x400, s24, s23, $0x38;
	[tilespmem:$0x10180] =	vst v63  }
0x16b: {  	s21 =	sadd.s32 $0x9D80, s20;
	s25 =	sadd.s32 $0x1C0, s19  }
0x16c: {  	[hbm4b:s25+s23] =	stream.strided.scatter [tilespmem:s21], [sflag:$0x4], $0x400, s24, s23, $0x38;
	[tilespmem:$0x10180] =	vst v63  }
0x16d: {  	s21 =	sadd.s32 $0xA180, s20;
	s25 =	sadd.s32 $0x200, s19  }
0x16e: {  	[hbm4b:s25+s23] =	stream.strided.scatter [tilespmem:s21], [sflag:$0x4], $0x400, s24, s23, $0x38;
	[tilespmem:$0x10180] =	vst v63  }
0x16f: {  	s21 =	sadd.s32 $0xA580, s20;
	s25 =	sadd.s32 $0x240, s19  }
0x170: {  	[hbm4b:s25+s23] =	stream.strided.scatter [tilespmem:s21], [sflag:$0x4], $0x400, s24, s23, $0x38;
	[tilespmem:$0x10180] =	vst v63  }
0x171: {  	s21 =	sadd.s32 $0xA980, s20;
	s25 =	sadd.s32 $0x280, s19  }
0x172: {  	[hbm4b:s25+s23] =	stream.strided.scatter [tilespmem:s21], [sflag:$0x4], $0x400, s24, s23, $0x38;
	[tilespmem:$0x10180] =	vst v63  }
0x173: {  	s21 =	sadd.s32 $0xAD80, s20;
	s25 =	sadd.s32 $0x2C0, s19  }
0x174: {  	[hbm4b:s25+s23] =	stream.strided.scatter [tilespmem:s21], [sflag:$0x4], $0x400, s24, s23, $0x38;
	[tilespmem:$0x10180] =	vst v63  }
0x175: {  	s21 =	sadd.s32 $0xB180, s20;
	s25 =	sadd.s32 $0x300, s19  }
0x176: {  	[hbm4b:s25+s23] =	stream.strided.scatter [tilespmem:s21], [sflag:$0x4], $0x400, s24, s23, $0x38;
	[tilespmem:$0x10180] =	vst v63  }
0x177: {  	p1 =	por p0, p0;
	s21 =	sadd.s32 $0xB580, s20;
	s25 =	sadd.s32 $0x340, s19  }
0x178: {  	[hbm4b:s25+s23] =	stream.strided.scatter [tilespmem:s21], [sflag:$0x4], $0x400, s24, s23, $0x38;
	[tilespmem:$0x10180] =	vst v63  }
.Ltmp8:
0x179: {  	s21 =	sadd.s32 $0xB980, s20;
	s25 =	sadd.s32 $0x380, s19;
	(pc) =	sbr.rel @p1 .LBB2_15-.Ltmp8, $4  }
0x17a: {  	[hbm4b:s25+s23] =	stream.strided.scatter [tilespmem:s21], [sflag:$0x4], $0x400, s24, s23, $0x38;
	[tilespmem:$0x10180] =	vst v63  }
0x17b: {  	s20 =	sadd.s32 $0xBD80, s20;
	s19 =	sadd.s32 $0x3C0, s19  }
0x17c: {  	[hbm4b:s19+s23] =	stream.strided.scatter [tilespmem:s20], [sflag:$0x4], $0x400, s24, s23, $0x38;
	[tilespmem:$0x10180] =	vst v63  }
0x17d: {  	p0 =	por $0x0, $0x0;
	s19 =	simm.s32 $0x1  }
0x17e: {  	s4 =	sadd.s32 s4, s17;
	s5 =	simm.s32 $0x0;
	p0 =	por $0x1, $0x1  }
.LBB2_17:
0x17f: {  	s19 =	sshll.u32 s5, $0xE  }
0x180: {  	s21 =	sshll.u32 s5, $0xD;
	s19 =	sand.u32 $0x3FFFC000, s19  }
0x181: {  	s5 =	sadd.s32 s21, s4;
	s20 =	sadd.s32 $0x8180, s19  }
0x182: {  	[hbm4b:s5+s23] =	stream.strided.scatter [tilespmem:s20], [sflag:$0x4], $0x400, s24, s23, $0x38;
	[tilespmem:$0x10180] =	vst v63  }
0x183: {  	s25 =	sadd.s32 $0x8580, s19;
	s21 =	sadd.s32 $0x40, s5  }
0x184: {  	[hbm4b:s21+s23] =	stream.strided.scatter [tilespmem:s25], [sflag:$0x4], $0x400, s24, s23, $0x38;
	[tilespmem:$0x10180] =	vst v63  }
0x185: {  	s21 =	sadd.s32 $0x8980, s19;
	s25 =	sadd.s32 $0x80, s5  }
0x186: {  	[hbm4b:s25+s23] =	stream.strided.scatter [tilespmem:s21], [sflag:$0x4], $0x400, s24, s23, $0x38;
	[tilespmem:$0x10180] =	vst v63  }
0x187: {  	s21 =	sadd.s32 $0x8D80, s19;
	s25 =	sadd.s32 $0xC0, s5  }
0x188: {  	[hbm4b:s25+s23] =	stream.strided.scatter [tilespmem:s21], [sflag:$0x4], $0x400, s24, s23, $0x38;
	[tilespmem:$0x10180] =	vst v63  }
0x189: {  	s21 =	sadd.s32 $0x9180, s19;
	s25 =	sadd.s32 $0x100, s5  }
0x18a: {  	[hbm4b:s25+s23] =	stream.strided.scatter [tilespmem:s21], [sflag:$0x4], $0x400, s24, s23, $0x38;
	[tilespmem:$0x10180] =	vst v63  }
0x18b: {  	s21 =	sadd.s32 $0x9580, s19;
	s25 =	sadd.s32 $0x140, s5  }
0x18c: {  	[hbm4b:s25+s23] =	stream.strided.scatter [tilespmem:s21], [sflag:$0x4], $0x400, s24, s23, $0x38;
	[tilespmem:$0x10180] =	vst v63  }
0x18d: {  	s21 =	sadd.s32 $0x9980, s19;
	s25 =	sadd.s32 $0x180, s5  }
0x18e: {  	[hbm4b:s25+s23] =	stream.strided.scatter [tilespmem:s21], [sflag:$0x4], $0x400, s24, s23, $0x38;
	[tilespmem:$0x10180] =	vst v63  }
0x18f: {  	s21 =	sadd.s32 $0x9D80, s19;
	s25 =	sadd.s32 $0x1C0, s5  }
0x190: {  	[hbm4b:s25+s23] =	stream.strided.scatter [tilespmem:s21], [sflag:$0x4], $0x400, s24, s23, $0x38;
	[tilespmem:$0x10180] =	vst v63  }
0x191: {  	s21 =	sadd.s32 $0xA180, s19;
	s25 =	sadd.s32 $0x200, s5  }
0x192: {  	[hbm4b:s25+s23] =	stream.strided.scatter [tilespmem:s21], [sflag:$0x4], $0x400, s24, s23, $0x38;
	[tilespmem:$0x10180] =	vst v63  }
0x193: {  	s21 =	sadd.s32 $0xA580, s19;
	s25 =	sadd.s32 $0x240, s5  }
0x194: {  	[hbm4b:s25+s23] =	stream.strided.scatter [tilespmem:s21], [sflag:$0x4], $0x400, s24, s23, $0x38;
	[tilespmem:$0x10180] =	vst v63  }
0x195: {  	s21 =	sadd.s32 $0xA980, s19;
	s25 =	sadd.s32 $0x280, s5  }
0x196: {  	[hbm4b:s25+s23] =	stream.strided.scatter [tilespmem:s21], [sflag:$0x4], $0x400, s24, s23, $0x38;
	[tilespmem:$0x10180] =	vst v63  }
0x197: {  	s21 =	sadd.s32 $0xAD80, s19;
	s25 =	sadd.s32 $0x2C0, s5  }
0x198: {  	[hbm4b:s25+s23] =	stream.strided.scatter [tilespmem:s21], [sflag:$0x4], $0x400, s24, s23, $0x38;
	[tilespmem:$0x10180] =	vst v63  }
0x199: {  	s21 =	sadd.s32 $0xB180, s19;
	s25 =	sadd.s32 $0x300, s5  }
0x19a: {  	[hbm4b:s25+s23] =	stream.strided.scatter [tilespmem:s21], [sflag:$0x4], $0x400, s24, s23, $0x38;
	[tilespmem:$0x10180] =	vst v63  }
0x19b: {  	p1 =	por p0, p0;
	s21 =	sadd.s32 $0xB580, s19;
	s25 =	sadd.s32 $0x340, s5  }
0x19c: {  	[hbm4b:s25+s23] =	stream.strided.scatter [tilespmem:s21], [sflag:$0x4], $0x400, s24, s23, $0x38;
	[tilespmem:$0x10180] =	vst v63  }
.Ltmp9:
0x19d: {  	s21 =	sadd.s32 $0xB980, s19;
	s25 =	sadd.s32 $0x380, s5;
	(pc) =	sbr.rel @p1 .LBB2_17-.Ltmp9, $4  }
0x19e: {  	[hbm4b:s25+s23] =	stream.strided.scatter [tilespmem:s21], [sflag:$0x4], $0x400, s24, s23, $0x38;
	[tilespmem:$0x10180] =	vst v63  }
0x19f: {  	s19 =	sadd.s32 $0xBD80, s19;
	s5 =	sadd.s32 $0x3C0, s5  }
0x1a0: {  	[hbm4b:s5+s23] =	stream.strided.scatter [tilespmem:s19], [sflag:$0x4], $0x400, s24, s23, $0x38;
	[tilespmem:$0x10180] =	vst v63  }
0x1a1: {  	p0 =	por $0x0, $0x0;
	s5 =	simm.s32 $0x1  }
0x1a2: {  	_ =	swait.ge [sflag:s31], $0x8000  }
0x1a3: {  	[sflag:s31] =	ssyncset.done $0x0  }
0x1a4: {  	[sflag:s31] =	ssyncadd.s32 $0xFFFF8000  }
0x1a5: {  	_ =	swait.ge [sflag:s31], $0x8000  }
0x1a6: {  	[sflag:s31] =	ssyncset.done $0x0  }
0x1a7: {  	[sflag:s31] =	ssyncadd.s32 $0xFFFF8000  }
0x1a8: {  	p0 =	seq.s32 s0, $0x3;
	_ =	swait.ge [sflag:s31], $0x8000  }
.Ltmp10:
0x1a9: {  	[sflag:s31] =	ssyncset.done $0x0;
	(pc) =	sbr.rel @p0 .LBB2_20-.Ltmp10, $4  }
0x1aa: {  	[sflag:s31] =	ssyncadd.s32 $0xFFFF8000  }
0x1ab: {  	_ =	swait.ge [sflag:s31], $0x8000  }
0x1ac: {  	[sflag:s31] =	ssyncset.done $0x0  }
0x1ad: {  	[sflag:s31] =	ssyncadd.s32 $0xFFFF8000  }
0x1ae: {  	s4 =	sshll.u32 s0, $0x5  }
0x1af: {  	s4 =	sadd.s32 s4, s18  }
0x1b0: {  	v7 =	vadd.s32 s4, v5  }
0x1b1: {  	v8 =	vshll.u32 v7, $0x4  }
0x1b2: {  	v9 =	vand.u32 $0x7, v7;
	v8 =	vand.u32 $0xFFFFFF80, v8  }
0x1b3: {  	v8 =	vor.u32 v9, v8  }
0x1b4: {  	v9 =	vperm.xlane v8, v2;
	_ =	sdelay $0x1  }
0x1b5: {  	v9 =	vadd.s32 v3, v9;
	_ =	sdelay $0x3  }
0x1b6: {  	s25 =	simm.s32 $0x180;
	[tilespmem:$0x80] =	vst v7  }
0x1b7: {  	[tilespmem:s25], [sflag:$0x1] =	stream.indirect_vreg.gather [hbm4b:s1+s3], $0x80, v9, vm0, $0xb8;
	[tilespmem:$0x10180] =	vst v63  }
0x1b8: {  	s5 =	simm.s32 $0x980  }
0x1b9: {  	[tilespmem:s5], [sflag:$0x1] =	stream.indirect_vreg.gather [hbm4b:s7+s3], $0x80, v9, vm0, $0xb8;
	[tilespmem:$0x10180] =	vst v63  }
0x1ba: {  	s19 =	simm.s32 $0x1180  }
0x1bb: {  	[tilespmem:s19], [sflag:$0x1] =	stream.indirect_vreg.gather [hbm4b:s8+s3], $0x80, v9, vm0, $0xb8;
	[tilespmem:$0x10180] =	vst v63  }
0x1bc: {  	s20 =	simm.s32 $0x1980  }
0x1bd: {  	[tilespmem:s20], [sflag:$0x1] =	stream.indirect_vreg.gather [hbm4b:s9+s3], $0x80, v9, vm0, $0xb8;
	[tilespmem:$0x10180] =	vst v63  }
0x1be: {  	s21 =	simm.s32 $0x2180  }
0x1bf: {  	[tilespmem:s21], [sflag:$0x1] =	stream.indirect_vreg.gather [hbm4b:s10+s3], $0x80, v9, vm0, $0xb8;
	[tilespmem:$0x10180] =	vst v63  }
0x1c0: {  	v7 =	vperm.xlane v8, v4;
	s25 =	simm.s32 $0x2980  }
0x1c1: {  	[tilespmem:s25], [sflag:$0x1] =	stream.indirect_vreg.gather [hbm4b:s11+s3], $0x80, v9, vm0, $0xb8;
	[tilespmem:$0x10180] =	vst v63  }
0x1c2: {  	v7 =	vadd.s32 v3, v7;
	s5 =	simm.s32 $0x3180  }
0x1c3: {  	[tilespmem:s5], [sflag:$0x1] =	stream.indirect_vreg.gather [hbm4b:s12+s3], $0x80, v9, vm0, $0xb8;
	[tilespmem:$0x10180] =	vst v63  }
0x1c4: {  	s19 =	simm.s32 $0x3980  }
0x1c5: {  	[tilespmem:s19], [sflag:$0x1] =	stream.indirect_vreg.gather [hbm4b:s13+s3], $0x80, v9, vm0, $0xb8;
	[tilespmem:$0x10180] =	vst v63  }
0x1c6: {  	s20 =	simm.s32 $0x4180  }
0x1c7: {  	[tilespmem:s20], [sflag:$0x1] =	stream.indirect_vreg.gather [hbm4b:s1+s3], $0x80, v7, vm0, $0xb8;
	[tilespmem:$0x10180] =	vst v63  }
0x1c8: {  	s21 =	simm.s32 $0x4980  }
0x1c9: {  	[tilespmem:s21], [sflag:$0x1] =	stream.indirect_vreg.gather [hbm4b:s7+s3], $0x80, v7, vm0, $0xb8;
	[tilespmem:$0x10180] =	vst v63  }
0x1ca: {  	s25 =	simm.s32 $0x5180  }
0x1cb: {  	[tilespmem:s25], [sflag:$0x1] =	stream.indirect_vreg.gather [hbm4b:s8+s3], $0x80, v7, vm0, $0xb8;
	[tilespmem:$0x10180] =	vst v63  }
0x1cc: {  	s5 =	simm.s32 $0x5980  }
0x1cd: {  	[tilespmem:s5], [sflag:$0x1] =	stream.indirect_vreg.gather [hbm4b:s9+s3], $0x80, v7, vm0, $0xb8;
	[tilespmem:$0x10180] =	vst v63  }
0x1ce: {  	s19 =	simm.s32 $0x6180  }
0x1cf: {  	[tilespmem:s19], [sflag:$0x1] =	stream.indirect_vreg.gather [hbm4b:s10+s3], $0x80, v7, vm0, $0xb8;
	[tilespmem:$0x10180] =	vst v63  }
0x1d0: {  	s20 =	simm.s32 $0x6980  }
0x1d1: {  	[tilespmem:s20], [sflag:$0x1] =	stream.indirect_vreg.gather [hbm4b:s11+s3], $0x80, v7, vm0, $0xb8;
	[tilespmem:$0x10180] =	vst v63  }
.Ltmp11:
0x1d2: {  	_ = 	snop;
	(pc) =	sbr.rel .LBB2_2-.Ltmp11, $4  }
0x1d3: {  	s21 =	simm.s32 $0x7180  }
0x1d4: {  	[tilespmem:s21], [sflag:$0x1] =	stream.indirect_vreg.gather [hbm4b:s12+s3], $0x80, v7, vm0, $0xb8;
	[tilespmem:$0x10180] =	vst v63  }
0x1d5: {  	s0 =	sadd.s32 $0x1, s0;
	s25 =	simm.s32 $0x7980  }
0x1d6: {  	[tilespmem:s25], [sflag:$0x1] =	stream.indirect_vreg.gather [hbm4b:s13+s3], $0x80, v7, vm0, $0xb8;
	[tilespmem:$0x10180] =	vst v63  }
.LBB2_21:
0x1d7: {  	_ =	sfence.sel $0x180000  }
0x1d8: {  	[bflag:$0x0] =	sbarrier.arrive $0xFFFF  }
0x1d9: {  	_ =	strace $0x90000047  }
0x1da: {  	s0 =	stileid.u32;
	[bflag:$0x2] =	sbarrier.arrive $0xFFFF  }
0x1db: {  	p0 =	sne.s32 s0, $0x0;
	s0 =	rddreg [dreg:$0x3]  }
0x1dc: {  	s0 =	sadd.s32 @!p0 $0x100000, s0  }
0x1dd: {  	[sflag:s0] =	ssyncadd.tile.s32 @!p0 $0x1;
	_ =	shalt  }
.Lfunc_end2:
_tile_overlayer_lowered:
.L_overlay_start_2:
0x1de: {  	(tag) =	ssettag $0x2  }
0x1df: {  	s0 =	rddreg [dreg:$0x0];
	s2 =	stileid.u32  }
0x1e0: {  	s1 =	rddreg [dreg:$0x1];
	p0 =	sne.s32 s2, $0x0  }
0x1e1: {  	s3 =	rddreg [dreg:$0x2];
	[bflag:$0x3] =	sbarrier.arrive $0xFFFF;
	s2 =	simm.s32 @!p0 $0x1C05  }
0x1e2: {  	[timem:s3], [sflag:s2] =	dma.local @!p0 [hbm:s0], s1  }
0x1e3: {  	s0 =	simm.s32 @!p0 $0x5  }
0x1e4: {  	_ =	swait.ge @!p0 [sflag:s0], s1  }
0x1e5: {  	s1 =	ssub.s32 @!p0 $0x0, s1;
	[sflag:s0] =	ssyncset.done @!p0 $0x0  }
0x1e6: {  	[sflag:s0] =	ssyncadd.s32 @!p0 s1  }
0x1e7: {  	[bflag:$0x3] =	sbarrier.arrive $0xFFFF  }
0x1e8: {  	_ =	shalt  }

</sc_bundles>
